<compile_context>
chip_gen: v7x
topology: tpu7x:2x2x1
jax: 0.10.2.dev20260603
libtpu: 0.0.44.dev20260713+nightly
codegen_flags: <defaults>
</compile_context>

<pallas_src>
import functools

import jax
import jax.numpy as jnp
from jax import lax
from jax.experimental import pallas as pl
from jax.experimental.pallas import tpu as pltpu
from jax.experimental.pallas import tpu_sc as plsc

_BLOCK = 1000
_NSEL = 64
_STRIDE = 1000
_COLS = 512
_L = 16
_NC = 2
_NS = 16


def _copy_body(x_ref, o_ref):
    o_ref[...] = x_ref[...]


def _sc_fix_body(xref, buf):
    c = lax.axis_index("c")
    s = lax.axis_index("s")
    w = s * _NC + c
    for j in range(2):
        row = (2 * w + j) * _STRIDE
        pltpu.sync_copy(xref.at[row], buf.at[j])
        for t in range(_COLS // _L):
            v = buf[j, pl.ds(t * _L, _L)]
            buf[j, pl.ds(t * _L, _L)] = jnp.maximum(v, 0.0)
        pltpu.sync_copy(buf.at[j], xref.at[row])


@functools.cache
def _sc_fix():
    mesh = plsc.VectorSubcoreMesh(
        core_axis_name="c", subcore_axis_name="s", num_cores=_NC, num_subcores=_NS
    )
    return pl.kernel(
        _sc_fix_body,
        out_type=(),
        mesh=mesh,
        scratch_types=[pltpu.VMEM((2, _COLS), jnp.float32)],
    )


def kernel(x):
    rows, cols = x.shape
    y = pl.pallas_call(
        _copy_body,
        grid=(rows // _BLOCK,),
        in_specs=[pl.BlockSpec((_BLOCK, cols), lambda i: (i, 0))],
        out_specs=pl.BlockSpec((_BLOCK, cols), lambda i: (i, 0)),
        out_shape=jax.ShapeDtypeStruct(x.shape, x.dtype),
    )(x)
    ref = jax.new_ref(y)
    _sc_fix()(ref)
    return jax.freeze(ref)

# --- scband reference (transcript-rebuilt; emitter-appended) ---
"""Pipeline reference for scband-apply-n-80341658239589 (READ-ONLY COPY).

The authoritative reference and input builder live on the scoring server;
editing this copy changes nothing except your own understanding.
"""

import jax, jax.numpy as jnp
import numpy as np

# apply_n: gathers rows x[N], applies oper (relu), scatter-overwrites back into x.
# N and oper come from __init__ and are closed-over constants here.

def setup_inputs(seed: int = 0) -> dict:
    key = jax.random.key(seed)
    x = jax.random.normal(key, (100000, 512), dtype=jnp.float32)
    return {"x": x}


def reference(x):
    n = jnp.arange(64, dtype=jnp.int32) * 1000  # N from init_kwargs
    x_prime = jax.nn.relu(x[n])                 # oper = relu applied to gathered rows
    out = x.at[n].set(x_prime)                  # scatter-overwrite (in-place x[N] = x_prime)
    return out

if __name__ == "__main__":
    import jax
    _d = setup_inputs()
    print(jax.jit(kernel)(*tuple(_d.values())))

</pallas_src>

<mosaic_0001>
#map = affine_map<(d0, d1) -> (0, 0)>
module attributes {stable_mosaic.version = 14 : i64} {
  func.func @new_body(%arg0: i32, %arg1: i32, %arg2: memref<100000x512xf32, #tpu.memory_space<hbm>>, %arg3: memref<100000x512xf32, #tpu.memory_space<hbm>>, %arg4: memref<2x512xf32, #tpu.memory_space<vmem>>) attributes {dimension_semantics = [#tpu.dimension_semantics<core_parallel>, #tpu.dimension_semantics<subcore_parallel>], iteration_bounds = array<i64: 2, 16>, scalar_prefetch = 0 : i64, scratch_operands = 1 : i64, tpu.core_type = #tpu.core_type<sc_vector_subcore>, window_params = [{transform_indices = #map}, {transform_indices = #map}]} {
    %mul3A = arith.constant 2 : i32
    %mul3A_0 = arith.muli %arg1, %mul3A : i32
    %add3A = arith.addi %mul3A_0, %arg0 : i32
    %mul3A_1 = arith.constant 2 : i32
    %mul3A_2 = arith.muli %mul3A_1, %add3A : i32
    %add3A_3 = arith.constant 0 : i32
    %add3A_4 = arith.addi %mul3A_2, %add3A_3 : i32
    %mul3A_5 = arith.constant 1000 : i32
    %mul3A_6 = arith.muli %add3A_4, %mul3A_5 : i32
    %run_scoped3A = arith.constant 0 : i32
    "tpu.region"() ({
      %run_scoped3A_909 = tpu.sem_alloc : memref<!tpu.dma_semaphore, #tpu.memory_space<semaphore_mem>>
      %dma_start3A = arith.constant 0 : i32
      %dma_start3A_910 = tpu.memref_slice %arg4[%run_scoped3A, %dma_start3A] : memref<2x512xf32, #tpu.memory_space<vmem>> -> memref<1x512xf32, #tpu.memory_space<vmem>>
      %dma_start3A_911 = tpu.memref_squeeze %dma_start3A_910 : memref<1x512xf32, #tpu.memory_space<vmem>> -> memref<512xf32, #tpu.memory_space<vmem>>
      %dma_start3A_912 = arith.constant 0 : i32
      %dma_start3A_913 = tpu.memref_slice %arg2[%mul3A_6, %dma_start3A_912] : memref<100000x512xf32, #tpu.memory_space<hbm>> -> memref<1x512xf32, #tpu.memory_space<hbm>>
      %dma_start3A_914 = tpu.memref_squeeze %dma_start3A_913 : memref<1x512xf32, #tpu.memory_space<hbm>> -> memref<512xf32, #tpu.memory_space<hbm>>
      %dma_start3A_915 = arith.constant 0 : i32
      %dma_start3A_916 = tpu.memref_slice %arg4[%run_scoped3A, %dma_start3A_915] : memref<2x512xf32, #tpu.memory_space<vmem>> -> memref<1x512xf32, #tpu.memory_space<vmem>>
      %dma_start3A_917 = tpu.memref_squeeze %dma_start3A_916 : memref<1x512xf32, #tpu.memory_space<vmem>> -> memref<512xf32, #tpu.memory_space<vmem>>
      %dma_start3A_918 = arith.constant 0 : i32
      %dma_start3A_919 = tpu.memref_slice %arg2[%mul3A_6, %dma_start3A_918] : memref<100000x512xf32, #tpu.memory_space<hbm>> -> memref<1x512xf32, #tpu.memory_space<hbm>>
      %dma_start3A_920 = tpu.memref_squeeze %dma_start3A_919 : memref<1x512xf32, #tpu.memory_space<hbm>> -> memref<512xf32, #tpu.memory_space<hbm>>
      tpu.enqueue_dma source(%dma_start3A_920 : memref<512xf32, #tpu.memory_space<hbm>>) target(%dma_start3A_917 : memref<512xf32, #tpu.memory_space<vmem>>) target_semaphore(%run_scoped3A_909 : memref<!tpu.dma_semaphore, #tpu.memory_space<semaphore_mem>>)
      %dma_wait3A = arith.constant 0 : i32
      %dma_wait3A_921 = tpu.memref_slice %arg4[%run_scoped3A, %dma_wait3A] : memref<2x512xf32, #tpu.memory_space<vmem>> -> memref<1x512xf32, #tpu.memory_space<vmem>>
      %dma_wait3A_922 = tpu.memref_squeeze %dma_wait3A_921 : memref<1x512xf32, #tpu.memory_space<vmem>> -> memref<512xf32, #tpu.memory_space<vmem>>
      %dma_wait3A_923 = arith.constant 0 : i32
      %dma_wait3A_924 = tpu.memref_slice %arg2[%mul3A_6, %dma_wait3A_923] : memref<100000x512xf32, #tpu.memory_space<hbm>> -> memref<1x512xf32, #tpu.memory_space<hbm>>
      %dma_wait3A_925 = tpu.memref_squeeze %dma_wait3A_924 : memref<1x512xf32, #tpu.memory_space<hbm>> -> memref<512xf32, #tpu.memory_space<hbm>>
      %dma_wait3A_926 = arith.constant 0 : i32
      %dma_wait3A_927 = tpu.memref_slice %arg4[%run_scoped3A, %dma_wait3A_926] : memref<2x512xf32, #tpu.memory_space<vmem>> -> memref<1x512xf32, #tpu.memory_space<vmem>>
      %dma_wait3A_928 = tpu.memref_squeeze %dma_wait3A_927 : memref<1x512xf32, #tpu.memory_space<vmem>> -> memref<512xf32, #tpu.memory_space<vmem>>
      %dma_wait3A_929 = arith.constant 0 : i32
      %dma_wait3A_930 = tpu.memref_slice %arg2[%mul3A_6, %dma_wait3A_929] : memref<100000x512xf32, #tpu.memory_space<hbm>> -> memref<1x512xf32, #tpu.memory_space<hbm>>
      %dma_wait3A_931 = tpu.memref_squeeze %dma_wait3A_930 : memref<1x512xf32, #tpu.memory_space<hbm>> -> memref<512xf32, #tpu.memory_space<hbm>>
      tpu.wait_dma2 semaphore(%run_scoped3A_909 : memref<!tpu.dma_semaphore, #tpu.memory_space<semaphore_mem>>) src(%dma_wait3A_931 : memref<512xf32, #tpu.memory_space<hbm>>) dst(%dma_wait3A_928 : memref<512xf32, #tpu.memory_space<vmem>>)
      tpu.yield
    }) : () -> ()
    %get3A = arith.constant 0 : i32
    %get3A_7 = arith.index_cast %get3A : i32 to index
    %get3A_8 = arith.constant 0 : index
    %get3A_9 = tpu.vector_load %arg4[%get3A_7, %get3A_8] {strides = array<i32>} : memref<2x512xf32, #tpu.memory_space<vmem>>, vector<1x16xf32>,
    %get3A_10 = vector.shape_cast %get3A_9 : vector<1x16xf32> to vector<16xf32>
    %max3A = arith.constant 0.000000e+00 : f32
    %max3A_11 = vector.broadcast %max3A : f32 to vector<16xf32>
    %max3A_12 = arith.maximumf %get3A_10, %max3A_11 : vector<16xf32>
    %swap3A = arith.constant 0 : i32
    %swap3A_13 = arith.index_cast %swap3A : i32 to index
    %swap3A_14 = arith.constant 0 : index
    %swap3A_15 = tpu.vector_load %arg4[%swap3A_13, %swap3A_14] {strides = array<i32>} : memref<2x512xf32, #tpu.memory_space<vmem>>, vector<1x16xf32>,
    %swap3A_16 = vector.shape_cast %swap3A_15 : vector<1x16xf32> to vector<16xf32>
    %swap3A_17 = vector.shape_cast %max3A_12 : vector<16xf32> to vector<1x16xf32>
    tpu.vector_store %arg4[%swap3A_13, %swap3A_14], %swap3A_17 {strides = array<i32>} : memref<2x512xf32, #tpu.memory_space<vmem>>, vector<1x16xf32>,
    %get3A_18 = arith.constant 0 : i32
    %get3A_19 = arith.index_cast %get3A_18 : i32 to index
    %get3A_20 = arith.constant 16 : index
    %get3A_21 = tpu.vector_load %arg4[%get3A_19, %get3A_20] {strides = array<i32>} : memref<2x512xf32, #tpu.memory_space<vmem>>, vector<1x16xf32>,
    %get3A_22 = vector.shape_cast %get3A_21 : vector<1x16xf32> to vector<16xf32>
    %max3A_23 = arith.constant 0.000000e+00 : f32
    %max3A_24 = vector.broadcast %max3A_23 : f32 to vector<16xf32>
    %max3A_25 = arith.maximumf %get3A_22, %max3A_24 : vector<16xf32>
    %swap3A_26 = arith.constant 0 : i32
    %swap3A_27 = arith.index_cast %swap3A_26 : i32 to index
    %swap3A_28 = arith.constant 16 : index
    %swap3A_29 = tpu.vector_load %arg4[%swap3A_27, %swap3A_28] {strides = array<i32>} : memref<2x512xf32, #tpu.memory_space<vmem>>, vector<1x16xf32>,
    %swap3A_30 = vector.shape_cast %swap3A_29 : vector<1x16xf32> to vector<16xf32>
    %swap3A_31 = vector.shape_cast %max3A_25 : vector<16xf32> to vector<1x16xf32>
    tpu.vector_store %arg4[%swap3A_27, %swap3A_28], %swap3A_31 {strides = array<i32>} : memref<2x512xf32, #tpu.memory_space<vmem>>, vector<1x16xf32>,
    %get3A_32 = arith.constant 0 : i32
    %get3A_33 = arith.index_cast %get3A_32 : i32 to index
    %get3A_34 = arith.constant 32 : index
    %get3A_35 = tpu.vector_load %arg4[%get3A_33, %get3A_34] {strides = array<i32>} : memref<2x512xf32, #tpu.memory_space<vmem>>, vector<1x16xf32>,
    %get3A_36 = vector.shape_cast %get3A_35 : vector<1x16xf32> to vector<16xf32>
    %max3A_37 = arith.constant 0.000000e+00 : f32
    %max3A_38 = vector.broadcast %max3A_37 : f32 to vector<16xf32>
    %max3A_39 = arith.maximumf %get3A_36, %max3A_38 : vector<16xf32>
    %swap3A_40 = arith.constant 0 : i32
    %swap3A_41 = arith.index_cast %swap3A_40 : i32 to index
    %swap3A_42 = arith.constant 32 : index
    %swap3A_43 = tpu.vector_load %arg4[%swap3A_41, %swap3A_42] {strides = array<i32>} : memref<2x512xf32, #tpu.memory_space<vmem>>, vector<1x16xf32>,
    %swap3A_44 = vector.shape_cast %swap3A_43 : vector<1x16xf32> to vector<16xf32>
    %swap3A_45 = vector.shape_cast %max3A_39 : vector<16xf32> to vector<1x16xf32>
    tpu.vector_store %arg4[%swap3A_41, %swap3A_42], %swap3A_45 {strides = array<i32>} : memref<2x512xf32, #tpu.memory_space<vmem>>, vector<1x16xf32>,
    %get3A_46 = arith.constant 0 : i32
    %get3A_47 = arith.index_cast %get3A_46 : i32 to index
    %get3A_48 = arith.constant 48 : index
    %get3A_49 = tpu.vector_load %arg4[%get3A_47, %get3A_48] {strides = array<i32>} : memref<2x512xf32, #tpu.memory_space<vmem>>, vector<1x16xf32>,
    %get3A_50 = vector.shape_cast %get3A_49 : vector<1x16xf32> to vector<16xf32>
    %max3A_51 = arith.constant 0.000000e+00 : f32
    %max3A_52 = vector.broadcast %max3A_51 : f32 to vector<16xf32>
    %max3A_53 = arith.maximumf %get3A_50, %max3A_52 : vector<16xf32>
    %swap3A_54 = arith.constant 0 : i32
    %swap3A_55 = arith.index_cast %swap3A_54 : i32 to index
    %swap3A_56 = arith.constant 48 : index
    %swap3A_57 = tpu.vector_load %arg4[%swap3A_55, %swap3A_56] {strides = array<i32>} : memref<2x512xf32, #tpu.memory_space<vmem>>, vector<1x16xf32>,
    %swap3A_58 = vector.shape_cast %swap3A_57 : vector<1x16xf32> to vector<16xf32>
    %swap3A_59 = vector.shape_cast %max3A_53 : vector<16xf32> to vector<1x16xf32>
    tpu.vector_store %arg4[%swap3A_55, %swap3A_56], %swap3A_59 {strides = array<i32>} : memref<2x512xf32, #tpu.memory_space<vmem>>, vector<1x16xf32>,
    %get3A_60 = arith.constant 0 : i32
    %get3A_61 = arith.index_cast %get3A_60 : i32 to index
    %get3A_62 = arith.constant 64 : index
    %get3A_63 = tpu.vector_load %arg4[%get3A_61, %get3A_62] {strides = array<i32>} : memref<2x512xf32, #tpu.memory_space<vmem>>, vector<1x16xf32>,
    %get3A_64 = vector.shape_cast %get3A_63 : vector<1x16xf32> to vector<16xf32>
    %max3A_65 = arith.constant 0.000000e+00 : f32
    %max3A_66 = vector.broadcast %max3A_65 : f32 to vector<16xf32>
    %max3A_67 = arith.maximumf %get3A_64, %max3A_66 : vector<16xf32>
    %swap3A_68 = arith.constant 0 : i32
    %swap3A_69 = arith.index_cast %swap3A_68 : i32 to index
    %swap3A_70 = arith.constant 64 : index
    %swap3A_71 = tpu.vector_load %arg4[%swap3A_69, %swap3A_70] {strides = array<i32>} : memref<2x512xf32, #tpu.memory_space<vmem>>, vector<1x16xf32>,
    %swap3A_72 = vector.shape_cast %swap3A_71 : vector<1x16xf32> to vector<16xf32>
    %swap3A_73 = vector.shape_cast %max3A_67 : vector<16xf32> to vector<1x16xf32>
    tpu.vector_store %arg4[%swap3A_69, %swap3A_70], %swap3A_73 {strides = array<i32>} : memref<2x512xf32, #tpu.memory_space<vmem>>, vector<1x16xf32>,
    %get3A_74 = arith.constant 0 : i32
    %get3A_75 = arith.index_cast %get3A_74 : i32 to index
    %get3A_76 = arith.constant 80 : index
    %get3A_77 = tpu.vector_load %arg4[%get3A_75, %get3A_76] {strides = array<i32>} : memref<2x512xf32, #tpu.memory_space<vmem>>, vector<1x16xf32>,
    %get3A_78 = vector.shape_cast %get3A_77 : vector<1x16xf32> to vector<16xf32>
    %max3A_79 = arith.constant 0.000000e+00 : f32
    %max3A_80 = vector.broadcast %max3A_79 : f32 to vector<16xf32>
    %max3A_81 = arith.maximumf %get3A_78, %max3A_80 : vector<16xf32>
    %swap3A_82 = arith.constant 0 : i32
    %swap3A_83 = arith.index_cast %swap3A_82 : i32 to index
    %swap3A_84 = arith.constant 80 : index
    %swap3A_85 = tpu.vector_load %arg4[%swap3A_83, %swap3A_84] {strides = array<i32>} : memref<2x512xf32, #tpu.memory_space<vmem>>, vector<1x16xf32>,
    %swap3A_86 = vector.shape_cast %swap3A_85 : vector<1x16xf32> to vector<16xf32>
    %swap3A_87 = vector.shape_cast %max3A_81 : vector<16xf32> to vector<1x16xf32>
    tpu.vector_store %arg4[%swap3A_83, %swap3A_84], %swap3A_87 {strides = array<i32>} : memref<2x512xf32, #tpu.memory_space<vmem>>, vector<1x16xf32>,
    %get3A_88 = arith.constant 0 : i32
    %get3A_89 = arith.index_cast %get3A_88 : i32 to index
    %get3A_90 = arith.constant 96 : index
    %get3A_91 = tpu.vector_load %arg4[%get3A_89, %get3A_90] {strides = array<i32>} : memref<2x512xf32, #tpu.memory_space<vmem>>, vector<1x16xf32>,
    %get3A_92 = vector.shape_cast %get3A_91 : vector<1x16xf32> to vector<16xf32>
    %max3A_93 = arith.constant 0.000000e+00 : f32
    %max3A_94 = vector.broadcast %max3A_93 : f32 to vector<16xf32>
    %max3A_95 = arith.maximumf %get3A_92, %max3A_94 : vector<16xf32>
    %swap3A_96 = arith.constant 0 : i32
    %swap3A_97 = arith.index_cast %swap3A_96 : i32 to index
    %swap3A_98 = arith.constant 96 : index
    %swap3A_99 = tpu.vector_load %arg4[%swap3A_97, %swap3A_98] {strides = array<i32>} : memref<2x512xf32, #tpu.memory_space<vmem>>, vector<1x16xf32>,
    %swap3A_100 = vector.shape_cast %swap3A_99 : vector<1x16xf32> to vector<16xf32>
    %swap3A_101 = vector.shape_cast %max3A_95 : vector<16xf32> to vector<1x16xf32>
    tpu.vector_store %arg4[%swap3A_97, %swap3A_98], %swap3A_101 {strides = array<i32>} : memref<2x512xf32, #tpu.memory_space<vmem>>, vector<1x16xf32>,
    %get3A_102 = arith.constant 0 : i32
    %get3A_103 = arith.index_cast %get3A_102 : i32 to index
    %get3A_104 = arith.constant 112 : index
    %get3A_105 = tpu.vector_load %arg4[%get3A_103, %get3A_104] {strides = array<i32>} : memref<2x512xf32, #tpu.memory_space<vmem>>, vector<1x16xf32>,
    %get3A_106 = vector.shape_cast %get3A_105 : vector<1x16xf32> to vector<16xf32>
    %max3A_107 = arith.constant 0.000000e+00 : f32
    %max3A_108 = vector.broadcast %max3A_107 : f32 to vector<16xf32>
    %max3A_109 = arith.maximumf %get3A_106, %max3A_108 : vector<16xf32>
    %swap3A_110 = arith.constant 0 : i32
    %swap3A_111 = arith.index_cast %swap3A_110 : i32 to index
    %swap3A_112 = arith.constant 112 : index
    %swap3A_113 = tpu.vector_load %arg4[%swap3A_111, %swap3A_112] {strides = array<i32>} : memref<2x512xf32, #tpu.memory_space<vmem>>, vector<1x16xf32>,
    %swap3A_114 = vector.shape_cast %swap3A_113 : vector<1x16xf32> to vector<16xf32>
    %swap3A_115 = vector.shape_cast %max3A_109 : vector<16xf32> to vector<1x16xf32>
    tpu.vector_store %arg4[%swap3A_111, %swap3A_112], %swap3A_115 {strides = array<i32>} : memref<2x512xf32, #tpu.memory_space<vmem>>, vector<1x16xf32>,
    %get3A_116 = arith.constant 0 : i32
    %get3A_117 = arith.index_cast %get3A_116 : i32 to index
    %get3A_118 = arith.constant 128 : index
    %get3A_119 = tpu.vector_load %arg4[%get3A_117, %get3A_118] {strides = array<i32>} : memref<2x512xf32, #tpu.memory_space<vmem>>, vector<1x16xf32>,
    %get3A_120 = vector.shape_cast %get3A_119 : vector<1x16xf32> to vector<16xf32>
    %max3A_121 = arith.constant 0.000000e+00 : f32
    %max3A_122 = vector.broadcast %max3A_121 : f32 to vector<16xf32>
    %max3A_123 = arith.maximumf %get3A_120, %max3A_122 : vector<16xf32>
    %swap3A_124 = arith.constant 0 : i32
    %swap3A_125 = arith.index_cast %swap3A_124 : i32 to index
    %swap3A_126 = arith.constant 128 : index
    %swap3A_127 = tpu.vector_load %arg4[%swap3A_125, %swap3A_126] {strides = array<i32>} : memref<2x512xf32, #tpu.memory_space<vmem>>, vector<1x16xf32>,
    %swap3A_128 = vector.shape_cast %swap3A_127 : vector<1x16xf32> to vector<16xf32>
    %swap3A_129 = vector.shape_cast %max3A_123 : vector<16xf32> to vector<1x16xf32>
    tpu.vector_store %arg4[%swap3A_125, %swap3A_126], %swap3A_129 {strides = array<i32>} : memref<2x512xf32, #tpu.memory_space<vmem>>, vector<1x16xf32>,
    %get3A_130 = arith.constant 0 : i32
    %get3A_131 = arith.index_cast %get3A_130 : i32 to index
    %get3A_132 = arith.constant 144 : index
    %get3A_133 = tpu.vector_load %arg4[%get3A_131, %get3A_132] {strides = array<i32>} : memref<2x512xf32, #tpu.memory_space<vmem>>, vector<1x16xf32>,
    %get3A_134 = vector.shape_cast %get3A_133 : vector<1x16xf32> to vector<16xf32>
    %max3A_135 = arith.constant 0.000000e+00 : f32
    %max3A_136 = vector.broadcast %max3A_135 : f32 to vector<16xf32>
    %max3A_137 = arith.maximumf %get3A_134, %max3A_136 : vector<16xf32>
    %swap3A_138 = arith.constant 0 : i32
    %swap3A_139 = arith.index_cast %swap3A_138 : i32 to index
    %swap3A_140 = arith.constant 144 : index
    %swap3A_141 = tpu.vector_load %arg4[%swap3A_139, %swap3A_140] {strides = array<i32>} : memref<2x512xf32, #tpu.memory_space<vmem>>, vector<1x16xf32>,
    %swap3A_142 = vector.shape_cast %swap3A_141 : vector<1x16xf32> to vector<16xf32>
    %swap3A_143 = vector.shape_cast %max3A_137 : vector<16xf32> to vector<1x16xf32>
    tpu.vector_store %arg4[%swap3A_139, %swap3A_140], %swap3A_143 {strides = array<i32>} : memref<2x512xf32, #tpu.memory_space<vmem>>, vector<1x16xf32>,
    %get3A_144 = arith.constant 0 : i32
    %get3A_145 = arith.index_cast %get3A_144 : i32 to index
    %get3A_146 = arith.constant 160 : index
    %get3A_147 = tpu.vector_load %arg4[%get3A_145, %get3A_146] {strides = array<i32>} : memref<2x512xf32, #tpu.memory_space<vmem>>, vector<1x16xf32>,
    %get3A_148 = vector.shape_cast %get3A_147 : vector<1x16xf32> to vector<16xf32>
    %max3A_149 = arith.constant 0.000000e+00 : f32
    %max3A_150 = vector.broadcast %max3A_149 : f32 to vector<16xf32>
    %max3A_151 = arith.maximumf %get3A_148, %max3A_150 : vector<16xf32>
    %swap3A_152 = arith.constant 0 : i32
    %swap3A_153 = arith.index_cast %swap3A_152 : i32 to index
    %swap3A_154 = arith.constant 160 : index
    %swap3A_155 = tpu.vector_load %arg4[%swap3A_153, %swap3A_154] {strides = array<i32>} : memref<2x512xf32, #tpu.memory_space<vmem>>, vector<1x16xf32>,
    %swap3A_156 = vector.shape_cast %swap3A_155 : vector<1x16xf32> to vector<16xf32>
    %swap3A_157 = vector.shape_cast %max3A_151 : vector<16xf32> to vector<1x16xf32>
    tpu.vector_store %arg4[%swap3A_153, %swap3A_154], %swap3A_157 {strides = array<i32>} : memref<2x512xf32, #tpu.memory_space<vmem>>, vector<1x16xf32>,
    %get3A_158 = arith.constant 0 : i32
    %get3A_159 = arith.index_cast %get3A_158 : i32 to index
    %get3A_160 = arith.constant 176 : index
    %get3A_161 = tpu.vector_load %arg4[%get3A_159, %get3A_160] {strides = array<i32>} : memref<2x512xf32, #tpu.memory_space<vmem>>, vector<1x16xf32>,
    %get3A_162 = vector.shape_cast %get3A_161 : vector<1x16xf32> to vector<16xf32>
    %max3A_163 = arith.constant 0.000000e+00 : f32
    %max3A_164 = vector.broadcast %max3A_163 : f32 to vector<16xf32>
    %max3A_165 = arith.maximumf %get3A_162, %max3A_164 : vector<16xf32>
    %swap3A_166 = arith.constant 0 : i32
    %swap3A_167 = arith.index_cast %swap3A_166 : i32 to index
    %swap3A_168 = arith.constant 176 : index
    %swap3A_169 = tpu.vector_load %arg4[%swap3A_167, %swap3A_168] {strides = array<i32>} : memref<2x512xf32, #tpu.memory_space<vmem>>, vector<1x16xf32>,
    %swap3A_170 = vector.shape_cast %swap3A_169 : vector<1x16xf32> to vector<16xf32>
    %swap3A_171 = vector.shape_cast %max3A_165 : vector<16xf32> to vector<1x16xf32>
    tpu.vector_store %arg4[%swap3A_167, %swap3A_168], %swap3A_171 {strides = array<i32>} : memref<2x512xf32, #tpu.memory_space<vmem>>, vector<1x16xf32>,
    %get3A_172 = arith.constant 0 : i32
    %get3A_173 = arith.index_cast %get3A_172 : i32 to index
    %get3A_174 = arith.constant 192 : index
    %get3A_175 = tpu.vector_load %arg4[%get3A_173, %get3A_174] {strides = array<i32>} : memref<2x512xf32, #tpu.memory_space<vmem>>, vector<1x16xf32>,
    %get3A_176 = vector.shape_cast %get3A_175 : vector<1x16xf32> to vector<16xf32>
    %max3A_177 = arith.constant 0.000000e+00 : f32
    %max3A_178 = vector.broadcast %max3A_177 : f32 to vector<16xf32>
    %max3A_179 = arith.maximumf %get3A_176, %max3A_178 : vector<16xf32>
    %swap3A_180 = arith.constant 0 : i32
    %swap3A_181 = arith.index_cast %swap3A_180 : i32 to index
    %swap3A_182 = arith.constant 192 : index
    %swap3A_183 = tpu.vector_load %arg4[%swap3A_181, %swap3A_182] {strides = array<i32>} : memref<2x512xf32, #tpu.memory_space<vmem>>, vector<1x16xf32>,
    %swap3A_184 = vector.shape_cast %swap3A_183 : vector<1x16xf32> to vector<16xf32>
    %swap3A_185 = vector.shape_cast %max3A_179 : vector<16xf32> to vector<1x16xf32>
    tpu.vector_store %arg4[%swap3A_181, %swap3A_182], %swap3A_185 {strides = array<i32>} : memref<2x512xf32, #tpu.memory_space<vmem>>, vector<1x16xf32>,
    %get3A_186 = arith.constant 0 : i32
    %get3A_187 = arith.index_cast %get3A_186 : i32 to index
    %get3A_188 = arith.constant 208 : index
    %get3A_189 = tpu.vector_load %arg4[%get3A_187, %get3A_188] {strides = array<i32>} : memref<2x512xf32, #tpu.memory_space<vmem>>, vector<1x16xf32>,
    %get3A_190 = vector.shape_cast %get3A_189 : vector<1x16xf32> to vector<16xf32>
    %max3A_191 = arith.constant 0.000000e+00 : f32
    %max3A_192 = vector.broadcast %max3A_191 : f32 to vector<16xf32>
    %max3A_193 = arith.maximumf %get3A_190, %max3A_192 : vector<16xf32>
    %swap3A_194 = arith.constant 0 : i32
    %swap3A_195 = arith.index_cast %swap3A_194 : i32 to index
    %swap3A_196 = arith.constant 208 : index
    %swap3A_197 = tpu.vector_load %arg4[%swap3A_195, %swap3A_196] {strides = array<i32>} : memref<2x512xf32, #tpu.memory_space<vmem>>, vector<1x16xf32>,
    %swap3A_198 = vector.shape_cast %swap3A_197 : vector<1x16xf32> to vector<16xf32>
    %swap3A_199 = vector.shape_cast %max3A_193 : vector<16xf32> to vector<1x16xf32>
    tpu.vector_store %arg4[%swap3A_195, %swap3A_196], %swap3A_199 {strides = array<i32>} : memref<2x512xf32, #tpu.memory_space<vmem>>, vector<1x16xf32>,
    %get3A_200 = arith.constant 0 : i32
    %get3A_201 = arith.index_cast %get3A_200 : i32 to index
    %get3A_202 = arith.constant 224 : index
    %get3A_203 = tpu.vector_load %arg4[%get3A_201, %get3A_202] {strides = array<i32>} : memref<2x512xf32, #tpu.memory_space<vmem>>, vector<1x16xf32>,
    %get3A_204 = vector.shape_cast %get3A_203 : vector<1x16xf32> to vector<16xf32>
    %max3A_205 = arith.constant 0.000000e+00 : f32
    %max3A_206 = vector.broadcast %max3A_205 : f32 to vector<16xf32>
    %max3A_207 = arith.maximumf %get3A_204, %max3A_206 : vector<16xf32>
    %swap3A_208 = arith.constant 0 : i32
    %swap3A_209 = arith.index_cast %swap3A_208 : i32 to index
    %swap3A_210 = arith.constant 224 : index
    %swap3A_211 = tpu.vector_load %arg4[%swap3A_209, %swap3A_210] {strides = array<i32>} : memref<2x512xf32, #tpu.memory_space<vmem>>, vector<1x16xf32>,
    %swap3A_212 = vector.shape_cast %swap3A_211 : vector<1x16xf32> to vector<16xf32>
    %swap3A_213 = vector.shape_cast %max3A_207 : vector<16xf32> to vector<1x16xf32>
    tpu.vector_store %arg4[%swap3A_209, %swap3A_210], %swap3A_213 {strides = array<i32>} : memref<2x512xf32, #tpu.memory_space<vmem>>, vector<1x16xf32>,
    %get3A_214 = arith.constant 0 : i32
    %get3A_215 = arith.index_cast %get3A_214 : i32 to index
    %get3A_216 = arith.constant 240 : index
    %get3A_217 = tpu.vector_load %arg4[%get3A_215, %get3A_216] {strides = array<i32>} : memref<2x512xf32, #tpu.memory_space<vmem>>, vector<1x16xf32>,
    %get3A_218 = vector.shape_cast %get3A_217 : vector<1x16xf32> to vector<16xf32>
    %max3A_219 = arith.constant 0.000000e+00 : f32
    %max3A_220 = vector.broadcast %max3A_219 : f32 to vector<16xf32>
    %max3A_221 = arith.maximumf %get3A_218, %max3A_220 : vector<16xf32>
    %swap3A_222 = arith.constant 0 : i32
    %swap3A_223 = arith.index_cast %swap3A_222 : i32 to index
    %swap3A_224 = arith.constant 240 : index
    %swap3A_225 = tpu.vector_load %arg4[%swap3A_223, %swap3A_224] {strides = array<i32>} : memref<2x512xf32, #tpu.memory_space<vmem>>, vector<1x16xf32>,
    %swap3A_226 = vector.shape_cast %swap3A_225 : vector<1x16xf32> to vector<16xf32>
    %swap3A_227 = vector.shape_cast %max3A_221 : vector<16xf32> to vector<1x16xf32>
    tpu.vector_store %arg4[%swap3A_223, %swap3A_224], %swap3A_227 {strides = array<i32>} : memref<2x512xf32, #tpu.memory_space<vmem>>, vector<1x16xf32>,
    %get3A_228 = arith.constant 0 : i32
    %get3A_229 = arith.index_cast %get3A_228 : i32 to index
    %get3A_230 = arith.constant 256 : index
    %get3A_231 = tpu.vector_load %arg4[%get3A_229, %get3A_230] {strides = array<i32>} : memref<2x512xf32, #tpu.memory_space<vmem>>, vector<1x16xf32>,
    %get3A_232 = vector.shape_cast %get3A_231 : vector<1x16xf32> to vector<16xf32>
    %max3A_233 = arith.constant 0.000000e+00 : f32
    %max3A_234 = vector.broadcast %max3A_233 : f32 to vector<16xf32>
    %max3A_235 = arith.maximumf %get3A_232, %max3A_234 : vector<16xf32>
    %swap3A_236 = arith.constant 0 : i32
    %swap3A_237 = arith.index_cast %swap3A_236 : i32 to index
    %swap3A_238 = arith.constant 256 : index
    %swap3A_239 = tpu.vector_load %arg4[%swap3A_237, %swap3A_238] {strides = array<i32>} : memref<2x512xf32, #tpu.memory_space<vmem>>, vector<1x16xf32>,
    %swap3A_240 = vector.shape_cast %swap3A_239 : vector<1x16xf32> to vector<16xf32>
    %swap3A_241 = vector.shape_cast %max3A_235 : vector<16xf32> to vector<1x16xf32>
    tpu.vector_store %arg4[%swap3A_237, %swap3A_238], %swap3A_241 {strides = array<i32>} : memref<2x512xf32, #tpu.memory_space<vmem>>, vector<1x16xf32>,
    %get3A_242 = arith.constant 0 : i32
    %get3A_243 = arith.index_cast %get3A_242 : i32 to index
    %get3A_244 = arith.constant 272 : index
    %get3A_245 = tpu.vector_load %arg4[%get3A_243, %get3A_244] {strides = array<i32>} : memref<2x512xf32, #tpu.memory_space<vmem>>, vector<1x16xf32>,
    %get3A_246 = vector.shape_cast %get3A_245 : vector<1x16xf32> to vector<16xf32>
    %max3A_247 = arith.constant 0.000000e+00 : f32
    %max3A_248 = vector.broadcast %max3A_247 : f32 to vector<16xf32>
    %max3A_249 = arith.maximumf %get3A_246, %max3A_248 : vector<16xf32>
    %swap3A_250 = arith.constant 0 : i32
    %swap3A_251 = arith.index_cast %swap3A_250 : i32 to index
    %swap3A_252 = arith.constant 272 : index
    %swap3A_253 = tpu.vector_load %arg4[%swap3A_251, %swap3A_252] {strides = array<i32>} : memref<2x512xf32, #tpu.memory_space<vmem>>, vector<1x16xf32>,
    %swap3A_254 = vector.shape_cast %swap3A_253 : vector<1x16xf32> to vector<16xf32>
    %swap3A_255 = vector.shape_cast %max3A_249 : vector<16xf32> to vector<1x16xf32>
    tpu.vector_store %arg4[%swap3A_251, %swap3A_252], %swap3A_255 {strides = array<i32>} : memref<2x512xf32, #tpu.memory_space<vmem>>, vector<1x16xf32>,
    %get3A_256 = arith.constant 0 : i32
    %get3A_257 = arith.index_cast %get3A_256 : i32 to index
    %get3A_258 = arith.constant 288 : index
    %get3A_259 = tpu.vector_load %arg4[%get3A_257, %get3A_258] {strides = array<i32>} : memref<2x512xf32, #tpu.memory_space<vmem>>, vector<1x16xf32>,
    %get3A_260 = vector.shape_cast %get3A_259 : vector<1x16xf32> to vector<16xf32>
    %max3A_261 = arith.constant 0.000000e+00 : f32
    %max3A_262 = vector.broadcast %max3A_261 : f32 to vector<16xf32>
    %max3A_263 = arith.maximumf %get3A_260, %max3A_262 : vector<16xf32>
    %swap3A_264 = arith.constant 0 : i32
    %swap3A_265 = arith.index_cast %swap3A_264 : i32 to index
    %swap3A_266 = arith.constant 288 : index
    %swap3A_267 = tpu.vector_load %arg4[%swap3A_265, %swap3A_266] {strides = array<i32>} : memref<2x512xf32, #tpu.memory_space<vmem>>, vector<1x16xf32>,
    %swap3A_268 = vector.shape_cast %swap3A_267 : vector<1x16xf32> to vector<16xf32>
    %swap3A_269 = vector.shape_cast %max3A_263 : vector<16xf32> to vector<1x16xf32>
    tpu.vector_store %arg4[%swap3A_265, %swap3A_266], %swap3A_269 {strides = array<i32>} : memref<2x512xf32, #tpu.memory_space<vmem>>, vector<1x16xf32>,
    %get3A_270 = arith.constant 0 : i32
    %get3A_271 = arith.index_cast %get3A_270 : i32 to index
    %get3A_272 = arith.constant 304 : index
    %get3A_273 = tpu.vector_load %arg4[%get3A_271, %get3A_272] {strides = array<i32>} : memref<2x512xf32, #tpu.memory_space<vmem>>, vector<1x16xf32>,
    %get3A_274 = vector.shape_cast %get3A_273 : vector<1x16xf32> to vector<16xf32>
    %max3A_275 = arith.constant 0.000000e+00 : f32
    %max3A_276 = vector.broadcast %max3A_275 : f32 to vector<16xf32>
    %max3A_277 = arith.maximumf %get3A_274, %max3A_276 : vector<16xf32>
    %swap3A_278 = arith.constant 0 : i32
    %swap3A_279 = arith.index_cast %swap3A_278 : i32 to index
    %swap3A_280 = arith.constant 304 : index
    %swap3A_281 = tpu.vector_load %arg4[%swap3A_279, %swap3A_280] {strides = array<i32>} : memref<2x512xf32, #tpu.memory_space<vmem>>, vector<1x16xf32>,
    %swap3A_282 = vector.shape_cast %swap3A_281 : vector<1x16xf32> to vector<16xf32>
    %swap3A_283 = vector.shape_cast %max3A_277 : vector<16xf32> to vector<1x16xf32>
    tpu.vector_store %arg4[%swap3A_279, %swap3A_280], %swap3A_283 {strides = array<i32>} : memref<2x512xf32, #tpu.memory_space<vmem>>, vector<1x16xf32>,
    %get3A_284 = arith.constant 0 : i32
    %get3A_285 = arith.index_cast %get3A_284 : i32 to index
    %get3A_286 = arith.constant 320 : index
    %get3A_287 = tpu.vector_load %arg4[%get3A_285, %get3A_286] {strides = array<i32>} : memref<2x512xf32, #tpu.memory_space<vmem>>, vector<1x16xf32>,
    %get3A_288 = vector.shape_cast %get3A_287 : vector<1x16xf32> to vector<16xf32>
    %max3A_289 = arith.constant 0.000000e+00 : f32
    %max3A_290 = vector.broadcast %max3A_289 : f32 to vector<16xf32>
    %max3A_291 = arith.maximumf %get3A_288, %max3A_290 : vector<16xf32>
    %swap3A_292 = arith.constant 0 : i32
    %swap3A_293 = arith.index_cast %swap3A_292 : i32 to index
    %swap3A_294 = arith.constant 320 : index
    %swap3A_295 = tpu.vector_load %arg4[%swap3A_293, %swap3A_294] {strides = array<i32>} : memref<2x512xf32, #tpu.memory_space<vmem>>, vector<1x16xf32>,
    %swap3A_296 = vector.shape_cast %swap3A_295 : vector<1x16xf32> to vector<16xf32>
    %swap3A_297 = vector.shape_cast %max3A_291 : vector<16xf32> to vector<1x16xf32>
    tpu.vector_store %arg4[%swap3A_293, %swap3A_294], %swap3A_297 {strides = array<i32>} : memref<2x512xf32, #tpu.memory_space<vmem>>, vector<1x16xf32>,
    %get3A_298 = arith.constant 0 : i32
    %get3A_299 = arith.index_cast %get3A_298 : i32 to index
    %get3A_300 = arith.constant 336 : index
    %get3A_301 = tpu.vector_load %arg4[%get3A_299, %get3A_300] {strides = array<i32>} : memref<2x512xf32, #tpu.memory_space<vmem>>, vector<1x16xf32>,
    %get3A_302 = vector.shape_cast %get3A_301 : vector<1x16xf32> to vector<16xf32>
    %max3A_303 = arith.constant 0.000000e+00 : f32
    %max3A_304 = vector.broadcast %max3A_303 : f32 to vector<16xf32>
    %max3A_305 = arith.maximumf %get3A_302, %max3A_304 : vector<16xf32>
    %swap3A_306 = arith.constant 0 : i32
    %swap3A_307 = arith.index_cast %swap3A_306 : i32 to index
    %swap3A_308 = arith.constant 336 : index
    %swap3A_309 = tpu.vector_load %arg4[%swap3A_307, %swap3A_308] {strides = array<i32>} : memref<2x512xf32, #tpu.memory_space<vmem>>, vector<1x16xf32>,
    %swap3A_310 = vector.shape_cast %swap3A_309 : vector<1x16xf32> to vector<16xf32>
    %swap3A_311 = vector.shape_cast %max3A_305 : vector<16xf32> to vector<1x16xf32>
    tpu.vector_store %arg4[%swap3A_307, %swap3A_308], %swap3A_311 {strides = array<i32>} : memref<2x512xf32, #tpu.memory_space<vmem>>, vector<1x16xf32>,
    %get3A_312 = arith.constant 0 : i32
    %get3A_313 = arith.index_cast %get3A_312 : i32 to index
    %get3A_314 = arith.constant 352 : index
    %get3A_315 = tpu.vector_load %arg4[%get3A_313, %get3A_314] {strides = array<i32>} : memref<2x512xf32, #tpu.memory_space<vmem>>, vector<1x16xf32>,
    %get3A_316 = vector.shape_cast %get3A_315 : vector<1x16xf32> to vector<16xf32>
    %max3A_317 = arith.constant 0.000000e+00 : f32
    %max3A_318 = vector.broadcast %max3A_317 : f32 to vector<16xf32>
    %max3A_319 = arith.maximumf %get3A_316, %max3A_318 : vector<16xf32>
    %swap3A_320 = arith.constant 0 : i32
    %swap3A_321 = arith.index_cast %swap3A_320 : i32 to index
    %swap3A_322 = arith.constant 352 : index
    %swap3A_323 = tpu.vector_load %arg4[%swap3A_321, %swap3A_322] {strides = array<i32>} : memref<2x512xf32, #tpu.memory_space<vmem>>, vector<1x16xf32>,
    %swap3A_324 = vector.shape_cast %swap3A_323 : vector<1x16xf32> to vector<16xf32>
    %swap3A_325 = vector.shape_cast %max3A_319 : vector<16xf32> to vector<1x16xf32>
    tpu.vector_store %arg4[%swap3A_321, %swap3A_322], %swap3A_325 {strides = array<i32>} : memref<2x512xf32, #tpu.memory_space<vmem>>, vector<1x16xf32>,
    %get3A_326 = arith.constant 0 : i32
    %get3A_327 = arith.index_cast %get3A_326 : i32 to index
    %get3A_328 = arith.constant 368 : index
    %get3A_329 = tpu.vector_load %arg4[%get3A_327, %get3A_328] {strides = array<i32>} : memref<2x512xf32, #tpu.memory_space<vmem>>, vector<1x16xf32>,
    %get3A_330 = vector.shape_cast %get3A_329 : vector<1x16xf32> to vector<16xf32>
    %max3A_331 = arith.constant 0.000000e+00 : f32
    %max3A_332 = vector.broadcast %max3A_331 : f32 to vector<16xf32>
    %max3A_333 = arith.maximumf %get3A_330, %max3A_332 : vector<16xf32>
    %swap3A_334 = arith.constant 0 : i32
    %swap3A_335 = arith.index_cast %swap3A_334 : i32 to index
    %swap3A_336 = arith.constant 368 : index
    %swap3A_337 = tpu.vector_load %arg4[%swap3A_335, %swap3A_336] {strides = array<i32>} : memref<2x512xf32, #tpu.memory_space<vmem>>, vector<1x16xf32>,
    %swap3A_338 = vector.shape_cast %swap3A_337 : vector<1x16xf32> to vector<16xf32>
    %swap3A_339 = vector.shape_cast %max3A_333 : vector<16xf32> to vector<1x16xf32>
    tpu.vector_store %arg4[%swap3A_335, %swap3A_336], %swap3A_339 {strides = array<i32>} : memref<2x512xf32, #tpu.memory_space<vmem>>, vector<1x16xf32>,
    %get3A_340 = arith.constant 0 : i32
    %get3A_341 = arith.index_cast %get3A_340 : i32 to index
    %get3A_342 = arith.constant 384 : index
    %get3A_343 = tpu.vector_load %arg4[%get3A_341, %get3A_342] {strides = array<i32>} : memref<2x512xf32, #tpu.memory_space<vmem>>, vector<1x16xf32>,
    %get3A_344 = vector.shape_cast %get3A_343 : vector<1x16xf32> to vector<16xf32>
    %max3A_345 = arith.constant 0.000000e+00 : f32
    %max3A_346 = vector.broadcast %max3A_345 : f32 to vector<16xf32>
    %max3A_347 = arith.maximumf %get3A_344, %max3A_346 : vector<16xf32>
    %swap3A_348 = arith.constant 0 : i32
    %swap3A_349 = arith.index_cast %swap3A_348 : i32 to index
    %swap3A_350 = arith.constant 384 : index
    %swap3A_351 = tpu.vector_load %arg4[%swap3A_349, %swap3A_350] {strides = array<i32>} : memref<2x512xf32, #tpu.memory_space<vmem>>, vector<1x16xf32>,
    %swap3A_352 = vector.shape_cast %swap3A_351 : vector<1x16xf32> to vector<16xf32>
    %swap3A_353 = vector.shape_cast %max3A_347 : vector<16xf32> to vector<1x16xf32>
    tpu.vector_store %arg4[%swap3A_349, %swap3A_350], %swap3A_353 {strides = array<i32>} : memref<2x512xf32, #tpu.memory_space<vmem>>, vector<1x16xf32>,
    %get3A_354 = arith.constant 0 : i32
    %get3A_355 = arith.index_cast %get3A_354 : i32 to index
    %get3A_356 = arith.constant 400 : index
    %get3A_357 = tpu.vector_load %arg4[%get3A_355, %get3A_356] {strides = array<i32>} : memref<2x512xf32, #tpu.memory_space<vmem>>, vector<1x16xf32>,
    %get3A_358 = vector.shape_cast %get3A_357 : vector<1x16xf32> to vector<16xf32>
    %max3A_359 = arith.constant 0.000000e+00 : f32
    %max3A_360 = vector.broadcast %max3A_359 : f32 to vector<16xf32>
    %max3A_361 = arith.maximumf %get3A_358, %max3A_360 : vector<16xf32>
    %swap3A_362 = arith.constant 0 : i32
    %swap3A_363 = arith.index_cast %swap3A_362 : i32 to index
    %swap3A_364 = arith.constant 400 : index
    %swap3A_365 = tpu.vector_load %arg4[%swap3A_363, %swap3A_364] {strides = array<i32>} : memref<2x512xf32, #tpu.memory_space<vmem>>, vector<1x16xf32>,
    %swap3A_366 = vector.shape_cast %swap3A_365 : vector<1x16xf32> to vector<16xf32>
    %swap3A_367 = vector.shape_cast %max3A_361 : vector<16xf32> to vector<1x16xf32>
    tpu.vector_store %arg4[%swap3A_363, %swap3A_364], %swap3A_367 {strides = array<i32>} : memref<2x512xf32, #tpu.memory_space<vmem>>, vector<1x16xf32>,
    %get3A_368 = arith.constant 0 : i32
    %get3A_369 = arith.index_cast %get3A_368 : i32 to index
    %get3A_370 = arith.constant 416 : index
    %get3A_371 = tpu.vector_load %arg4[%get3A_369, %get3A_370] {strides = array<i32>} : memref<2x512xf32, #tpu.memory_space<vmem>>, vector<1x16xf32>,
    %get3A_372 = vector.shape_cast %get3A_371 : vector<1x16xf32> to vector<16xf32>
    %max3A_373 = arith.constant 0.000000e+00 : f32
    %max3A_374 = vector.broadcast %max3A_373 : f32 to vector<16xf32>
    %max3A_375 = arith.maximumf %get3A_372, %max3A_374 : vector<16xf32>
    %swap3A_376 = arith.constant 0 : i32
    %swap3A_377 = arith.index_cast %swap3A_376 : i32 to index
    %swap3A_378 = arith.constant 416 : index
    %swap3A_379 = tpu.vector_load %arg4[%swap3A_377, %swap3A_378] {strides = array<i32>} : memref<2x512xf32, #tpu.memory_space<vmem>>, vector<1x16xf32>,
    %swap3A_380 = vector.shape_cast %swap3A_379 : vector<1x16xf32> to vector<16xf32>
    %swap3A_381 = vector.shape_cast %max3A_375 : vector<16xf32> to vector<1x16xf32>
    tpu.vector_store %arg4[%swap3A_377, %swap3A_378], %swap3A_381 {strides = array<i32>} : memref<2x512xf32, #tpu.memory_space<vmem>>, vector<1x16xf32>,
    %get3A_382 = arith.constant 0 : i32
    %get3A_383 = arith.index_cast %get3A_382 : i32 to index
    %get3A_384 = arith.constant 432 : index
    %get3A_385 = tpu.vector_load %arg4[%get3A_383, %get3A_384] {strides = array<i32>} : memref<2x512xf32, #tpu.memory_space<vmem>>, vector<1x16xf32>,
    %get3A_386 = vector.shape_cast %get3A_385 : vector<1x16xf32> to vector<16xf32>
    %max3A_387 = arith.constant 0.000000e+00 : f32
    %max3A_388 = vector.broadcast %max3A_387 : f32 to vector<16xf32>
    %max3A_389 = arith.maximumf %get3A_386, %max3A_388 : vector<16xf32>
    %swap3A_390 = arith.constant 0 : i32
    %swap3A_391 = arith.index_cast %swap3A_390 : i32 to index
    %swap3A_392 = arith.constant 432 : index
    %swap3A_393 = tpu.vector_load %arg4[%swap3A_391, %swap3A_392] {strides = array<i32>} : memref<2x512xf32, #tpu.memory_space<vmem>>, vector<1x16xf32>,
    %swap3A_394 = vector.shape_cast %swap3A_393 : vector<1x16xf32> to vector<16xf32>
    %swap3A_395 = vector.shape_cast %max3A_389 : vector<16xf32> to vector<1x16xf32>
    tpu.vector_store %arg4[%swap3A_391, %swap3A_392], %swap3A_395 {strides = array<i32>} : memref<2x512xf32, #tpu.memory_space<vmem>>, vector<1x16xf32>,
    %get3A_396 = arith.constant 0 : i32
    %get3A_397 = arith.index_cast %get3A_396 : i32 to index
    %get3A_398 = arith.constant 448 : index
    %get3A_399 = tpu.vector_load %arg4[%get3A_397, %get3A_398] {strides = array<i32>} : memref<2x512xf32, #tpu.memory_space<vmem>>, vector<1x16xf32>,
    %get3A_400 = vector.shape_cast %get3A_399 : vector<1x16xf32> to vector<16xf32>
    %max3A_401 = arith.constant 0.000000e+00 : f32
    %max3A_402 = vector.broadcast %max3A_401 : f32 to vector<16xf32>
    %max3A_403 = arith.maximumf %get3A_400, %max3A_402 : vector<16xf32>
    %swap3A_404 = arith.constant 0 : i32
    %swap3A_405 = arith.index_cast %swap3A_404 : i32 to index
    %swap3A_406 = arith.constant 448 : index
    %swap3A_407 = tpu.vector_load %arg4[%swap3A_405, %swap3A_406] {strides = array<i32>} : memref<2x512xf32, #tpu.memory_space<vmem>>, vector<1x16xf32>,
    %swap3A_408 = vector.shape_cast %swap3A_407 : vector<1x16xf32> to vector<16xf32>
    %swap3A_409 = vector.shape_cast %max3A_403 : vector<16xf32> to vector<1x16xf32>
    tpu.vector_store %arg4[%swap3A_405, %swap3A_406], %swap3A_409 {strides = array<i32>} : memref<2x512xf32, #tpu.memory_space<vmem>>, vector<1x16xf32>,
    %get3A_410 = arith.constant 0 : i32
    %get3A_411 = arith.index_cast %get3A_410 : i32 to index
    %get3A_412 = arith.constant 464 : index
    %get3A_413 = tpu.vector_load %arg4[%get3A_411, %get3A_412] {strides = array<i32>} : memref<2x512xf32, #tpu.memory_space<vmem>>, vector<1x16xf32>,
    %get3A_414 = vector.shape_cast %get3A_413 : vector<1x16xf32> to vector<16xf32>
    %max3A_415 = arith.constant 0.000000e+00 : f32
    %max3A_416 = vector.broadcast %max3A_415 : f32 to vector<16xf32>
    %max3A_417 = arith.maximumf %get3A_414, %max3A_416 : vector<16xf32>
    %swap3A_418 = arith.constant 0 : i32
    %swap3A_419 = arith.index_cast %swap3A_418 : i32 to index
    %swap3A_420 = arith.constant 464 : index
    %swap3A_421 = tpu.vector_load %arg4[%swap3A_419, %swap3A_420] {strides = array<i32>} : memref<2x512xf32, #tpu.memory_space<vmem>>, vector<1x16xf32>,
    %swap3A_422 = vector.shape_cast %swap3A_421 : vector<1x16xf32> to vector<16xf32>
    %swap3A_423 = vector.shape_cast %max3A_417 : vector<16xf32> to vector<1x16xf32>
    tpu.vector_store %arg4[%swap3A_419, %swap3A_420], %swap3A_423 {strides = array<i32>} : memref<2x512xf32, #tpu.memory_space<vmem>>, vector<1x16xf32>,
    %get3A_424 = arith.constant 0 : i32
    %get3A_425 = arith.index_cast %get3A_424 : i32 to index
    %get3A_426 = arith.constant 480 : index
    %get3A_427 = tpu.vector_load %arg4[%get3A_425, %get3A_426] {strides = array<i32>} : memref<2x512xf32, #tpu.memory_space<vmem>>, vector<1x16xf32>,
    %get3A_428 = vector.shape_cast %get3A_427 : vector<1x16xf32> to vector<16xf32>
    %max3A_429 = arith.constant 0.000000e+00 : f32
    %max3A_430 = vector.broadcast %max3A_429 : f32 to vector<16xf32>
    %max3A_431 = arith.maximumf %get3A_428, %max3A_430 : vector<16xf32>
    %swap3A_432 = arith.constant 0 : i32
    %swap3A_433 = arith.index_cast %swap3A_432 : i32 to index
    %swap3A_434 = arith.constant 480 : index
    %swap3A_435 = tpu.vector_load %arg4[%swap3A_433, %swap3A_434] {strides = array<i32>} : memref<2x512xf32, #tpu.memory_space<vmem>>, vector<1x16xf32>,
    %swap3A_436 = vector.shape_cast %swap3A_435 : vector<1x16xf32> to vector<16xf32>
    %swap3A_437 = vector.shape_cast %max3A_431 : vector<16xf32> to vector<1x16xf32>
    tpu.vector_store %arg4[%swap3A_433, %swap3A_434], %swap3A_437 {strides = array<i32>} : memref<2x512xf32, #tpu.memory_space<vmem>>, vector<1x16xf32>,
    %get3A_438 = arith.constant 0 : i32
    %get3A_439 = arith.index_cast %get3A_438 : i32 to index
    %get3A_440 = arith.constant 496 : index
    %get3A_441 = tpu.vector_load %arg4[%get3A_439, %get3A_440] {strides = array<i32>} : memref<2x512xf32, #tpu.memory_space<vmem>>, vector<1x16xf32>,
    %get3A_442 = vector.shape_cast %get3A_441 : vector<1x16xf32> to vector<16xf32>
    %max3A_443 = arith.constant 0.000000e+00 : f32
    %max3A_444 = vector.broadcast %max3A_443 : f32 to vector<16xf32>
    %max3A_445 = arith.maximumf %get3A_442, %max3A_444 : vector<16xf32>
    %swap3A_446 = arith.constant 0 : i32
    %swap3A_447 = arith.index_cast %swap3A_446 : i32 to index
    %swap3A_448 = arith.constant 496 : index
    %swap3A_449 = tpu.vector_load %arg4[%swap3A_447, %swap3A_448] {strides = array<i32>} : memref<2x512xf32, #tpu.memory_space<vmem>>, vector<1x16xf32>,
    %swap3A_450 = vector.shape_cast %swap3A_449 : vector<1x16xf32> to vector<16xf32>
    %swap3A_451 = vector.shape_cast %max3A_445 : vector<16xf32> to vector<1x16xf32>
    tpu.vector_store %arg4[%swap3A_447, %swap3A_448], %swap3A_451 {strides = array<i32>} : memref<2x512xf32, #tpu.memory_space<vmem>>, vector<1x16xf32>,
    %run_scoped3A_452 = arith.constant 0 : i32
    "tpu.region"() ({
      %run_scoped3A_909 = tpu.sem_alloc : memref<!tpu.dma_semaphore, #tpu.memory_space<semaphore_mem>>
      %dma_start3A = arith.constant 0 : i32
      %dma_start3A_910 = tpu.memref_slice %arg4[%run_scoped3A_452, %dma_start3A] : memref<2x512xf32, #tpu.memory_space<vmem>> -> memref<1x512xf32, #tpu.memory_space<vmem>>
      %dma_start3A_911 = tpu.memref_squeeze %dma_start3A_910 : memref<1x512xf32, #tpu.memory_space<vmem>> -> memref<512xf32, #tpu.memory_space<vmem>>
      %dma_start3A_912 = arith.constant 0 : i32
      %dma_start3A_913 = tpu.memref_slice %arg2[%mul3A_6, %dma_start3A_912] : memref<100000x512xf32, #tpu.memory_space<hbm>> -> memref<1x512xf32, #tpu.memory_space<hbm>>
      %dma_start3A_914 = tpu.memref_squeeze %dma_start3A_913 : memref<1x512xf32, #tpu.memory_space<hbm>> -> memref<512xf32, #tpu.memory_space<hbm>>
      %dma_start3A_915 = arith.constant 0 : i32
      %dma_start3A_916 = tpu.memref_slice %arg2[%mul3A_6, %dma_start3A_915] : memref<100000x512xf32, #tpu.memory_space<hbm>> -> memref<1x512xf32, #tpu.memory_space<hbm>>
      %dma_start3A_917 = tpu.memref_squeeze %dma_start3A_916 : memref<1x512xf32, #tpu.memory_space<hbm>> -> memref<512xf32, #tpu.memory_space<hbm>>
      %dma_start3A_918 = arith.constant 0 : i32
      %dma_start3A_919 = tpu.memref_slice %arg4[%run_scoped3A_452, %dma_start3A_918] : memref<2x512xf32, #tpu.memory_space<vmem>> -> memref<1x512xf32, #tpu.memory_space<vmem>>
      %dma_start3A_920 = tpu.memref_squeeze %dma_start3A_919 : memref<1x512xf32, #tpu.memory_space<vmem>> -> memref<512xf32, #tpu.memory_space<vmem>>
      tpu.enqueue_dma source(%dma_start3A_920 : memref<512xf32, #tpu.memory_space<vmem>>) target(%dma_start3A_917 : memref<512xf32, #tpu.memory_space<hbm>>) target_semaphore(%run_scoped3A_909 : memref<!tpu.dma_semaphore, #tpu.memory_space<semaphore_mem>>)
      %dma_wait3A = arith.constant 0 : i32
      %dma_wait3A_921 = tpu.memref_slice %arg4[%run_scoped3A_452, %dma_wait3A] : memref<2x512xf32, #tpu.memory_space<vmem>> -> memref<1x512xf32, #tpu.memory_space<vmem>>
      %dma_wait3A_922 = tpu.memref_squeeze %dma_wait3A_921 : memref<1x512xf32, #tpu.memory_space<vmem>> -> memref<512xf32, #tpu.memory_space<vmem>>
      %dma_wait3A_923 = arith.constant 0 : i32
      %dma_wait3A_924 = tpu.memref_slice %arg2[%mul3A_6, %dma_wait3A_923] : memref<100000x512xf32, #tpu.memory_space<hbm>> -> memref<1x512xf32, #tpu.memory_space<hbm>>
      %dma_wait3A_925 = tpu.memref_squeeze %dma_wait3A_924 : memref<1x512xf32, #tpu.memory_space<hbm>> -> memref<512xf32, #tpu.memory_space<hbm>>
      %dma_wait3A_926 = arith.constant 0 : i32
      %dma_wait3A_927 = tpu.memref_slice %arg2[%mul3A_6, %dma_wait3A_926] : memref<100000x512xf32, #tpu.memory_space<hbm>> -> memref<1x512xf32, #tpu.memory_space<hbm>>
      %dma_wait3A_928 = tpu.memref_squeeze %dma_wait3A_927 : memref<1x512xf32, #tpu.memory_space<hbm>> -> memref<512xf32, #tpu.memory_space<hbm>>
      %dma_wait3A_929 = arith.constant 0 : i32
      %dma_wait3A_930 = tpu.memref_slice %arg4[%run_scoped3A_452, %dma_wait3A_929] : memref<2x512xf32, #tpu.memory_space<vmem>> -> memref<1x512xf32, #tpu.memory_space<vmem>>
      %dma_wait3A_931 = tpu.memref_squeeze %dma_wait3A_930 : memref<1x512xf32, #tpu.memory_space<vmem>> -> memref<512xf32, #tpu.memory_space<vmem>>
      tpu.wait_dma2 semaphore(%run_scoped3A_909 : memref<!tpu.dma_semaphore, #tpu.memory_space<semaphore_mem>>) src(%dma_wait3A_931 : memref<512xf32, #tpu.memory_space<vmem>>) dst(%dma_wait3A_928 : memref<512xf32, #tpu.memory_space<hbm>>)
      tpu.yield
    }) : () -> ()
    %mul3A_453 = arith.constant 2 : i32
    %mul3A_454 = arith.muli %mul3A_453, %add3A : i32
    %add3A_455 = arith.constant 1 : i32
    %add3A_456 = arith.addi %mul3A_454, %add3A_455 : i32
    %mul3A_457 = arith.constant 1000 : i32
    %mul3A_458 = arith.muli %add3A_456, %mul3A_457 : i32
    %run_scoped3A_459 = arith.constant 1 : i32
    "tpu.region"() ({
      %run_scoped3A_909 = tpu.sem_alloc : memref<!tpu.dma_semaphore, #tpu.memory_space<semaphore_mem>>
      %dma_start3A = arith.constant 0 : i32
      %dma_start3A_910 = tpu.memref_slice %arg4[%run_scoped3A_459, %dma_start3A] : memref<2x512xf32, #tpu.memory_space<vmem>> -> memref<1x512xf32, #tpu.memory_space<vmem>>
      %dma_start3A_911 = tpu.memref_squeeze %dma_start3A_910 : memref<1x512xf32, #tpu.memory_space<vmem>> -> memref<512xf32, #tpu.memory_space<vmem>>
      %dma_start3A_912 = arith.constant 0 : i32
      %dma_start3A_913 = tpu.memref_slice %arg2[%mul3A_458, %dma_start3A_912] : memref<100000x512xf32, #tpu.memory_space<hbm>> -> memref<1x512xf32, #tpu.memory_space<hbm>>
      %dma_start3A_914 = tpu.memref_squeeze %dma_start3A_913 : memref<1x512xf32, #tpu.memory_space<hbm>> -> memref<512xf32, #tpu.memory_space<hbm>>
      %dma_start3A_915 = arith.constant 0 : i32
      %dma_start3A_916 = tpu.memref_slice %arg4[%run_scoped3A_459, %dma_start3A_915] : memref<2x512xf32, #tpu.memory_space<vmem>> -> memref<1x512xf32, #tpu.memory_space<vmem>>
      %dma_start3A_917 = tpu.memref_squeeze %dma_start3A_916 : memref<1x512xf32, #tpu.memory_space<vmem>> -> memref<512xf32, #tpu.memory_space<vmem>>
      %dma_start3A_918 = arith.constant 0 : i32
      %dma_start3A_919 = tpu.memref_slice %arg2[%mul3A_458, %dma_start3A_918] : memref<100000x512xf32, #tpu.memory_space<hbm>> -> memref<1x512xf32, #tpu.memory_space<hbm>>
      %dma_start3A_920 = tpu.memref_squeeze %dma_start3A_919 : memref<1x512xf32, #tpu.memory_space<hbm>> -> memref<512xf32, #tpu.memory_space<hbm>>
      tpu.enqueue_dma source(%dma_start3A_920 : memref<512xf32, #tpu.memory_space<hbm>>) target(%dma_start3A_917 : memref<512xf32, #tpu.memory_space<vmem>>) target_semaphore(%run_scoped3A_909 : memref<!tpu.dma_semaphore, #tpu.memory_space<semaphore_mem>>)
      %dma_wait3A = arith.constant 0 : i32
      %dma_wait3A_921 = tpu.memref_slice %arg4[%run_scoped3A_459, %dma_wait3A] : memref<2x512xf32, #tpu.memory_space<vmem>> -> memref<1x512xf32, #tpu.memory_space<vmem>>
      %dma_wait3A_922 = tpu.memref_squeeze %dma_wait3A_921 : memref<1x512xf32, #tpu.memory_space<vmem>> -> memref<512xf32, #tpu.memory_space<vmem>>
      %dma_wait3A_923 = arith.constant 0 : i32
      %dma_wait3A_924 = tpu.memref_slice %arg2[%mul3A_458, %dma_wait3A_923] : memref<100000x512xf32, #tpu.memory_space<hbm>> -> memref<1x512xf32, #tpu.memory_space<hbm>>
      %dma_wait3A_925 = tpu.memref_squeeze %dma_wait3A_924 : memref<1x512xf32, #tpu.memory_space<hbm>> -> memref<512xf32, #tpu.memory_space<hbm>>
      %dma_wait3A_926 = arith.constant 0 : i32
      %dma_wait3A_927 = tpu.memref_slice %arg4[%run_scoped3A_459, %dma_wait3A_926] : memref<2x512xf32, #tpu.memory_space<vmem>> -> memref<1x512xf32, #tpu.memory_space<vmem>>
      %dma_wait3A_928 = tpu.memref_squeeze %dma_wait3A_927 : memref<1x512xf32, #tpu.memory_space<vmem>> -> memref<512xf32, #tpu.memory_space<vmem>>
      %dma_wait3A_929 = arith.constant 0 : i32
      %dma_wait3A_930 = tpu.memref_slice %arg2[%mul3A_458, %dma_wait3A_929] : memref<100000x512xf32, #tpu.memory_space<hbm>> -> memref<1x512xf32, #tpu.memory_space<hbm>>
      %dma_wait3A_931 = tpu.memref_squeeze %dma_wait3A_930 : memref<1x512xf32, #tpu.memory_space<hbm>> -> memref<512xf32, #tpu.memory_space<hbm>>
      tpu.wait_dma2 semaphore(%run_scoped3A_909 : memref<!tpu.dma_semaphore, #tpu.memory_space<semaphore_mem>>) src(%dma_wait3A_931 : memref<512xf32, #tpu.memory_space<hbm>>) dst(%dma_wait3A_928 : memref<512xf32, #tpu.memory_space<vmem>>)
      tpu.yield
    }) : () -> ()
    %get3A_460 = arith.constant 1 : i32
    %get3A_461 = arith.index_cast %get3A_460 : i32 to index
    %get3A_462 = arith.constant 0 : index
    %get3A_463 = tpu.vector_load %arg4[%get3A_461, %get3A_462] {strides = array<i32>} : memref<2x512xf32, #tpu.memory_space<vmem>>, vector<1x16xf32>,
    %get3A_464 = vector.shape_cast %get3A_463 : vector<1x16xf32> to vector<16xf32>
    %max3A_465 = arith.constant 0.000000e+00 : f32
    %max3A_466 = vector.broadcast %max3A_465 : f32 to vector<16xf32>
    %max3A_467 = arith.maximumf %get3A_464, %max3A_466 : vector<16xf32>
    %swap3A_468 = arith.constant 1 : i32
    %swap3A_469 = arith.index_cast %swap3A_468 : i32 to index
    %swap3A_470 = arith.constant 0 : index
    %swap3A_471 = tpu.vector_load %arg4[%swap3A_469, %swap3A_470] {strides = array<i32>} : memref<2x512xf32, #tpu.memory_space<vmem>>, vector<1x16xf32>,
    %swap3A_472 = vector.shape_cast %swap3A_471 : vector<1x16xf32> to vector<16xf32>
    %swap3A_473 = vector.shape_cast %max3A_467 : vector<16xf32> to vector<1x16xf32>
    tpu.vector_store %arg4[%swap3A_469, %swap3A_470], %swap3A_473 {strides = array<i32>} : memref<2x512xf32, #tpu.memory_space<vmem>>, vector<1x16xf32>,
    %get3A_474 = arith.constant 1 : i32
    %get3A_475 = arith.index_cast %get3A_474 : i32 to index
    %get3A_476 = arith.constant 16 : index
    %get3A_477 = tpu.vector_load %arg4[%get3A_475, %get3A_476] {strides = array<i32>} : memref<2x512xf32, #tpu.memory_space<vmem>>, vector<1x16xf32>,
    %get3A_478 = vector.shape_cast %get3A_477 : vector<1x16xf32> to vector<16xf32>
    %max3A_479 = arith.constant 0.000000e+00 : f32
    %max3A_480 = vector.broadcast %max3A_479 : f32 to vector<16xf32>
    %max3A_481 = arith.maximumf %get3A_478, %max3A_480 : vector<16xf32>
    %swap3A_482 = arith.constant 1 : i32
    %swap3A_483 = arith.index_cast %swap3A_482 : i32 to index
    %swap3A_484 = arith.constant 16 : index
    %swap3A_485 = tpu.vector_load %arg4[%swap3A_483, %swap3A_484] {strides = array<i32>} : memref<2x512xf32, #tpu.memory_space<vmem>>, vector<1x16xf32>,
    %swap3A_486 = vector.shape_cast %swap3A_485 : vector<1x16xf32> to vector<16xf32>
    %swap3A_487 = vector.shape_cast %max3A_481 : vector<16xf32> to vector<1x16xf32>
    tpu.vector_store %arg4[%swap3A_483, %swap3A_484], %swap3A_487 {strides = array<i32>} : memref<2x512xf32, #tpu.memory_space<vmem>>, vector<1x16xf32>,
    %get3A_488 = arith.constant 1 : i32
    %get3A_489 = arith.index_cast %get3A_488 : i32 to index
    %get3A_490 = arith.constant 32 : index
    %get3A_491 = tpu.vector_load %arg4[%get3A_489, %get3A_490] {strides = array<i32>} : memref<2x512xf32, #tpu.memory_space<vmem>>, vector<1x16xf32>,
    %get3A_492 = vector.shape_cast %get3A_491 : vector<1x16xf32> to vector<16xf32>
    %max3A_493 = arith.constant 0.000000e+00 : f32
    %max3A_494 = vector.broadcast %max3A_493 : f32 to vector<16xf32>
    %max3A_495 = arith.maximumf %get3A_492, %max3A_494 : vector<16xf32>
    %swap3A_496 = arith.constant 1 : i32
    %swap3A_497 = arith.index_cast %swap3A_496 : i32 to index
    %swap3A_498 = arith.constant 32 : index
    %swap3A_499 = tpu.vector_load %arg4[%swap3A_497, %swap3A_498] {strides = array<i32>} : memref<2x512xf32, #tpu.memory_space<vmem>>, vector<1x16xf32>,
    %swap3A_500 = vector.shape_cast %swap3A_499 : vector<1x16xf32> to vector<16xf32>
    %swap3A_501 = vector.shape_cast %max3A_495 : vector<16xf32> to vector<1x16xf32>
    tpu.vector_store %arg4[%swap3A_497, %swap3A_498], %swap3A_501 {strides = array<i32>} : memref<2x512xf32, #tpu.memory_space<vmem>>, vector<1x16xf32>,
    %get3A_502 = arith.constant 1 : i32
    %get3A_503 = arith.index_cast %get3A_502 : i32 to index
    %get3A_504 = arith.constant 48 : index
    %get3A_505 = tpu.vector_load %arg4[%get3A_503, %get3A_504] {strides = array<i32>} : memref<2x512xf32, #tpu.memory_space<vmem>>, vector<1x16xf32>,
    %get3A_506 = vector.shape_cast %get3A_505 : vector<1x16xf32> to vector<16xf32>
    %max3A_507 = arith.constant 0.000000e+00 : f32
    %max3A_508 = vector.broadcast %max3A_507 : f32 to vector<16xf32>
    %max3A_509 = arith.maximumf %get3A_506, %max3A_508 : vector<16xf32>
    %swap3A_510 = arith.constant 1 : i32
    %swap3A_511 = arith.index_cast %swap3A_510 : i32 to index
    %swap3A_512 = arith.constant 48 : index
    %swap3A_513 = tpu.vector_load %arg4[%swap3A_511, %swap3A_512] {strides = array<i32>} : memref<2x512xf32, #tpu.memory_space<vmem>>, vector<1x16xf32>,
    %swap3A_514 = vector.shape_cast %swap3A_513 : vector<1x16xf32> to vector<16xf32>
    %swap3A_515 = vector.shape_cast %max3A_509 : vector<16xf32> to vector<1x16xf32>
    tpu.vector_store %arg4[%swap3A_511, %swap3A_512], %swap3A_515 {strides = array<i32>} : memref<2x512xf32, #tpu.memory_space<vmem>>, vector<1x16xf32>,
    %get3A_516 = arith.constant 1 : i32
    %get3A_517 = arith.index_cast %get3A_516 : i32 to index
    %get3A_518 = arith.constant 64 : index
    %get3A_519 = tpu.vector_load %arg4[%get3A_517, %get3A_518] {strides = array<i32>} : memref<2x512xf32, #tpu.memory_space<vmem>>, vector<1x16xf32>,
    %get3A_520 = vector.shape_cast %get3A_519 : vector<1x16xf32> to vector<16xf32>
    %max3A_521 = arith.constant 0.000000e+00 : f32
    %max3A_522 = vector.broadcast %max3A_521 : f32 to vector<16xf32>
    %max3A_523 = arith.maximumf %get3A_520, %max3A_522 : vector<16xf32>
    %swap3A_524 = arith.constant 1 : i32
    %swap3A_525 = arith.index_cast %swap3A_524 : i32 to index
    %swap3A_526 = arith.constant 64 : index
    %swap3A_527 = tpu.vector_load %arg4[%swap3A_525, %swap3A_526] {strides = array<i32>} : memref<2x512xf32, #tpu.memory_space<vmem>>, vector<1x16xf32>,
    %swap3A_528 = vector.shape_cast %swap3A_527 : vector<1x16xf32> to vector<16xf32>
    %swap3A_529 = vector.shape_cast %max3A_523 : vector<16xf32> to vector<1x16xf32>
    tpu.vector_store %arg4[%swap3A_525, %swap3A_526], %swap3A_529 {strides = array<i32>} : memref<2x512xf32, #tpu.memory_space<vmem>>, vector<1x16xf32>,
    %get3A_530 = arith.constant 1 : i32
    %get3A_531 = arith.index_cast %get3A_530 : i32 to index
    %get3A_532 = arith.constant 80 : index
    %get3A_533 = tpu.vector_load %arg4[%get3A_531, %get3A_532] {strides = array<i32>} : memref<2x512xf32, #tpu.memory_space<vmem>>, vector<1x16xf32>,
    %get3A_534 = vector.shape_cast %get3A_533 : vector<1x16xf32> to vector<16xf32>
    %max3A_535 = arith.constant 0.000000e+00 : f32
    %max3A_536 = vector.broadcast %max3A_535 : f32 to vector<16xf32>
    %max3A_537 = arith.maximumf %get3A_534, %max3A_536 : vector<16xf32>
    %swap3A_538 = arith.constant 1 : i32
    %swap3A_539 = arith.index_cast %swap3A_538 : i32 to index
    %swap3A_540 = arith.constant 80 : index
    %swap3A_541 = tpu.vector_load %arg4[%swap3A_539, %swap3A_540] {strides = array<i32>} : memref<2x512xf32, #tpu.memory_space<vmem>>, vector<1x16xf32>,
    %swap3A_542 = vector.shape_cast %swap3A_541 : vector<1x16xf32> to vector<16xf32>
    %swap3A_543 = vector.shape_cast %max3A_537 : vector<16xf32> to vector<1x16xf32>
    tpu.vector_store %arg4[%swap3A_539, %swap3A_540], %swap3A_543 {strides = array<i32>} : memref<2x512xf32, #tpu.memory_space<vmem>>, vector<1x16xf32>,
    %get3A_544 = arith.constant 1 : i32
    %get3A_545 = arith.index_cast %get3A_544 : i32 to index
    %get3A_546 = arith.constant 96 : index
    %get3A_547 = tpu.vector_load %arg4[%get3A_545, %get3A_546] {strides = array<i32>} : memref<2x512xf32, #tpu.memory_space<vmem>>, vector<1x16xf32>,
    %get3A_548 = vector.shape_cast %get3A_547 : vector<1x16xf32> to vector<16xf32>
    %max3A_549 = arith.constant 0.000000e+00 : f32
    %max3A_550 = vector.broadcast %max3A_549 : f32 to vector<16xf32>
    %max3A_551 = arith.maximumf %get3A_548, %max3A_550 : vector<16xf32>
    %swap3A_552 = arith.constant 1 : i32
    %swap3A_553 = arith.index_cast %swap3A_552 : i32 to index
    %swap3A_554 = arith.constant 96 : index
    %swap3A_555 = tpu.vector_load %arg4[%swap3A_553, %swap3A_554] {strides = array<i32>} : memref<2x512xf32, #tpu.memory_space<vmem>>, vector<1x16xf32>,
    %swap3A_556 = vector.shape_cast %swap3A_555 : vector<1x16xf32> to vector<16xf32>
    %swap3A_557 = vector.shape_cast %max3A_551 : vector<16xf32> to vector<1x16xf32>
    tpu.vector_store %arg4[%swap3A_553, %swap3A_554], %swap3A_557 {strides = array<i32>} : memref<2x512xf32, #tpu.memory_space<vmem>>, vector<1x16xf32>,
    %get3A_558 = arith.constant 1 : i32
    %get3A_559 = arith.index_cast %get3A_558 : i32 to index
    %get3A_560 = arith.constant 112 : index
    %get3A_561 = tpu.vector_load %arg4[%get3A_559, %get3A_560] {strides = array<i32>} : memref<2x512xf32, #tpu.memory_space<vmem>>, vector<1x16xf32>,
    %get3A_562 = vector.shape_cast %get3A_561 : vector<1x16xf32> to vector<16xf32>
    %max3A_563 = arith.constant 0.000000e+00 : f32
    %max3A_564 = vector.broadcast %max3A_563 : f32 to vector<16xf32>
    %max3A_565 = arith.maximumf %get3A_562, %max3A_564 : vector<16xf32>
    %swap3A_566 = arith.constant 1 : i32
    %swap3A_567 = arith.index_cast %swap3A_566 : i32 to index
    %swap3A_568 = arith.constant 112 : index
    %swap3A_569 = tpu.vector_load %arg4[%swap3A_567, %swap3A_568] {strides = array<i32>} : memref<2x512xf32, #tpu.memory_space<vmem>>, vector<1x16xf32>,
    %swap3A_570 = vector.shape_cast %swap3A_569 : vector<1x16xf32> to vector<16xf32>
    %swap3A_571 = vector.shape_cast %max3A_565 : vector<16xf32> to vector<1x16xf32>
    tpu.vector_store %arg4[%swap3A_567, %swap3A_568], %swap3A_571 {strides = array<i32>} : memref<2x512xf32, #tpu.memory_space<vmem>>, vector<1x16xf32>,
    %get3A_572 = arith.constant 1 : i32
    %get3A_573 = arith.index_cast %get3A_572 : i32 to index
    %get3A_574 = arith.constant 128 : index
    %get3A_575 = tpu.vector_load %arg4[%get3A_573, %get3A_574] {strides = array<i32>} : memref<2x512xf32, #tpu.memory_space<vmem>>, vector<1x16xf32>,
    %get3A_576 = vector.shape_cast %get3A_575 : vector<1x16xf32> to vector<16xf32>
    %max3A_577 = arith.constant 0.000000e+00 : f32
    %max3A_578 = vector.broadcast %max3A_577 : f32 to vector<16xf32>
    %max3A_579 = arith.maximumf %get3A_576, %max3A_578 : vector<16xf32>
    %swap3A_580 = arith.constant 1 : i32
    %swap3A_581 = arith.index_cast %swap3A_580 : i32 to index
    %swap3A_582 = arith.constant 128 : index
    %swap3A_583 = tpu.vector_load %arg4[%swap3A_581, %swap3A_582] {strides = array<i32>} : memref<2x512xf32, #tpu.memory_space<vmem>>, vector<1x16xf32>,
    %swap3A_584 = vector.shape_cast %swap3A_583 : vector<1x16xf32> to vector<16xf32>
    %swap3A_585 = vector.shape_cast %max3A_579 : vector<16xf32> to vector<1x16xf32>
    tpu.vector_store %arg4[%swap3A_581, %swap3A_582], %swap3A_585 {strides = array<i32>} : memref<2x512xf32, #tpu.memory_space<vmem>>, vector<1x16xf32>,
    %get3A_586 = arith.constant 1 : i32
    %get3A_587 = arith.index_cast %get3A_586 : i32 to index
    %get3A_588 = arith.constant 144 : index
    %get3A_589 = tpu.vector_load %arg4[%get3A_587, %get3A_588] {strides = array<i32>} : memref<2x512xf32, #tpu.memory_space<vmem>>, vector<1x16xf32>,
    %get3A_590 = vector.shape_cast %get3A_589 : vector<1x16xf32> to vector<16xf32>
    %max3A_591 = arith.constant 0.000000e+00 : f32
    %max3A_592 = vector.broadcast %max3A_591 : f32 to vector<16xf32>
    %max3A_593 = arith.maximumf %get3A_590, %max3A_592 : vector<16xf32>
    %swap3A_594 = arith.constant 1 : i32
    %swap3A_595 = arith.index_cast %swap3A_594 : i32 to index
    %swap3A_596 = arith.constant 144 : index
    %swap3A_597 = tpu.vector_load %arg4[%swap3A_595, %swap3A_596] {strides = array<i32>} : memref<2x512xf32, #tpu.memory_space<vmem>>, vector<1x16xf32>,
    %swap3A_598 = vector.shape_cast %swap3A_597 : vector<1x16xf32> to vector<16xf32>
    %swap3A_599 = vector.shape_cast %max3A_593 : vector<16xf32> to vector<1x16xf32>
    tpu.vector_store %arg4[%swap3A_595, %swap3A_596], %swap3A_599 {strides = array<i32>} : memref<2x512xf32, #tpu.memory_space<vmem>>, vector<1x16xf32>,
    %get3A_600 = arith.constant 1 : i32
    %get3A_601 = arith.index_cast %get3A_600 : i32 to index
    %get3A_602 = arith.constant 160 : index
    %get3A_603 = tpu.vector_load %arg4[%get3A_601, %get3A_602] {strides = array<i32>} : memref<2x512xf32, #tpu.memory_space<vmem>>, vector<1x16xf32>,
    %get3A_604 = vector.shape_cast %get3A_603 : vector<1x16xf32> to vector<16xf32>
    %max3A_605 = arith.constant 0.000000e+00 : f32
    %max3A_606 = vector.broadcast %max3A_605 : f32 to vector<16xf32>
    %max3A_607 = arith.maximumf %get3A_604, %max3A_606 : vector<16xf32>
    %swap3A_608 = arith.constant 1 : i32
    %swap3A_609 = arith.index_cast %swap3A_608 : i32 to index
    %swap3A_610 = arith.constant 160 : index
    %swap3A_611 = tpu.vector_load %arg4[%swap3A_609, %swap3A_610] {strides = array<i32>} : memref<2x512xf32, #tpu.memory_space<vmem>>, vector<1x16xf32>,
    %swap3A_612 = vector.shape_cast %swap3A_611 : vector<1x16xf32> to vector<16xf32>
    %swap3A_613 = vector.shape_cast %max3A_607 : vector<16xf32> to vector<1x16xf32>
    tpu.vector_store %arg4[%swap3A_609, %swap3A_610], %swap3A_613 {strides = array<i32>} : memref<2x512xf32, #tpu.memory_space<vmem>>, vector<1x16xf32>,
    %get3A_614 = arith.constant 1 : i32
    %get3A_615 = arith.index_cast %get3A_614 : i32 to index
    %get3A_616 = arith.constant 176 : index
    %get3A_617 = tpu.vector_load %arg4[%get3A_615, %get3A_616] {strides = array<i32>} : memref<2x512xf32, #tpu.memory_space<vmem>>, vector<1x16xf32>,
    %get3A_618 = vector.shape_cast %get3A_617 : vector<1x16xf32> to vector<16xf32>
    %max3A_619 = arith.constant 0.000000e+00 : f32
    %max3A_620 = vector.broadcast %max3A_619 : f32 to vector<16xf32>
    %max3A_621 = arith.maximumf %get3A_618, %max3A_620 : vector<16xf32>
    %swap3A_622 = arith.constant 1 : i32
    %swap3A_623 = arith.index_cast %swap3A_622 : i32 to index
    %swap3A_624 = arith.constant 176 : index
    %swap3A_625 = tpu.vector_load %arg4[%swap3A_623, %swap3A_624] {strides = array<i32>} : memref<2x512xf32, #tpu.memory_space<vmem>>, vector<1x16xf32>,
    %swap3A_626 = vector.shape_cast %swap3A_625 : vector<1x16xf32> to vector<16xf32>
    %swap3A_627 = vector.shape_cast %max3A_621 : vector<16xf32> to vector<1x16xf32>
    tpu.vector_store %arg4[%swap3A_623, %swap3A_624], %swap3A_627 {strides = array<i32>} : memref<2x512xf32, #tpu.memory_space<vmem>>, vector<1x16xf32>,
    %get3A_628 = arith.constant 1 : i32
    %get3A_629 = arith.index_cast %get3A_628 : i32 to index
    %get3A_630 = arith.constant 192 : index
    %get3A_631 = tpu.vector_load %arg4[%get3A_629, %get3A_630] {strides = array<i32>} : memref<2x512xf32, #tpu.memory_space<vmem>>, vector<1x16xf32>,
    %get3A_632 = vector.shape_cast %get3A_631 : vector<1x16xf32> to vector<16xf32>
    %max3A_633 = arith.constant 0.000000e+00 : f32
    %max3A_634 = vector.broadcast %max3A_633 : f32 to vector<16xf32>
    %max3A_635 = arith.maximumf %get3A_632, %max3A_634 : vector<16xf32>
    %swap3A_636 = arith.constant 1 : i32
    %swap3A_637 = arith.index_cast %swap3A_636 : i32 to index
    %swap3A_638 = arith.constant 192 : index
    %swap3A_639 = tpu.vector_load %arg4[%swap3A_637, %swap3A_638] {strides = array<i32>} : memref<2x512xf32, #tpu.memory_space<vmem>>, vector<1x16xf32>,
    %swap3A_640 = vector.shape_cast %swap3A_639 : vector<1x16xf32> to vector<16xf32>
    %swap3A_641 = vector.shape_cast %max3A_635 : vector<16xf32> to vector<1x16xf32>
    tpu.vector_store %arg4[%swap3A_637, %swap3A_638], %swap3A_641 {strides = array<i32>} : memref<2x512xf32, #tpu.memory_space<vmem>>, vector<1x16xf32>,
    %get3A_642 = arith.constant 1 : i32
    %get3A_643 = arith.index_cast %get3A_642 : i32 to index
    %get3A_644 = arith.constant 208 : index
    %get3A_645 = tpu.vector_load %arg4[%get3A_643, %get3A_644] {strides = array<i32>} : memref<2x512xf32, #tpu.memory_space<vmem>>, vector<1x16xf32>,
    %get3A_646 = vector.shape_cast %get3A_645 : vector<1x16xf32> to vector<16xf32>
    %max3A_647 = arith.constant 0.000000e+00 : f32
    %max3A_648 = vector.broadcast %max3A_647 : f32 to vector<16xf32>
    %max3A_649 = arith.maximumf %get3A_646, %max3A_648 : vector<16xf32>
    %swap3A_650 = arith.constant 1 : i32
    %swap3A_651 = arith.index_cast %swap3A_650 : i32 to index
    %swap3A_652 = arith.constant 208 : index
    %swap3A_653 = tpu.vector_load %arg4[%swap3A_651, %swap3A_652] {strides = array<i32>} : memref<2x512xf32, #tpu.memory_space<vmem>>, vector<1x16xf32>,
    %swap3A_654 = vector.shape_cast %swap3A_653 : vector<1x16xf32> to vector<16xf32>
    %swap3A_655 = vector.shape_cast %max3A_649 : vector<16xf32> to vector<1x16xf32>
    tpu.vector_store %arg4[%swap3A_651, %swap3A_652], %swap3A_655 {strides = array<i32>} : memref<2x512xf32, #tpu.memory_space<vmem>>, vector<1x16xf32>,
    %get3A_656 = arith.constant 1 : i32
    %get3A_657 = arith.index_cast %get3A_656 : i32 to index
    %get3A_658 = arith.constant 224 : index
    %get3A_659 = tpu.vector_load %arg4[%get3A_657, %get3A_658] {strides = array<i32>} : memref<2x512xf32, #tpu.memory_space<vmem>>, vector<1x16xf32>,
    %get3A_660 = vector.shape_cast %get3A_659 : vector<1x16xf32> to vector<16xf32>
    %max3A_661 = arith.constant 0.000000e+00 : f32
    %max3A_662 = vector.broadcast %max3A_661 : f32 to vector<16xf32>
    %max3A_663 = arith.maximumf %get3A_660, %max3A_662 : vector<16xf32>
    %swap3A_664 = arith.constant 1 : i32
    %swap3A_665 = arith.index_cast %swap3A_664 : i32 to index
    %swap3A_666 = arith.constant 224 : index
    %swap3A_667 = tpu.vector_load %arg4[%swap3A_665, %swap3A_666] {strides = array<i32>} : memref<2x512xf32, #tpu.memory_space<vmem>>, vector<1x16xf32>,
    %swap3A_668 = vector.shape_cast %swap3A_667 : vector<1x16xf32> to vector<16xf32>
    %swap3A_669 = vector.shape_cast %max3A_663 : vector<16xf32> to vector<1x16xf32>
    tpu.vector_store %arg4[%swap3A_665, %swap3A_666], %swap3A_669 {strides = array<i32>} : memref<2x512xf32, #tpu.memory_space<vmem>>, vector<1x16xf32>,
    %get3A_670 = arith.constant 1 : i32
    %get3A_671 = arith.index_cast %get3A_670 : i32 to index
    %get3A_672 = arith.constant 240 : index
    %get3A_673 = tpu.vector_load %arg4[%get3A_671, %get3A_672] {strides = array<i32>} : memref<2x512xf32, #tpu.memory_space<vmem>>, vector<1x16xf32>,
    %get3A_674 = vector.shape_cast %get3A_673 : vector<1x16xf32> to vector<16xf32>
    %max3A_675 = arith.constant 0.000000e+00 : f32
    %max3A_676 = vector.broadcast %max3A_675 : f32 to vector<16xf32>
    %max3A_677 = arith.maximumf %get3A_674, %max3A_676 : vector<16xf32>
    %swap3A_678 = arith.constant 1 : i32
    %swap3A_679 = arith.index_cast %swap3A_678 : i32 to index
    %swap3A_680 = arith.constant 240 : index
    %swap3A_681 = tpu.vector_load %arg4[%swap3A_679, %swap3A_680] {strides = array<i32>} : memref<2x512xf32, #tpu.memory_space<vmem>>, vector<1x16xf32>,
    %swap3A_682 = vector.shape_cast %swap3A_681 : vector<1x16xf32> to vector<16xf32>
    %swap3A_683 = vector.shape_cast %max3A_677 : vector<16xf32> to vector<1x16xf32>
    tpu.vector_store %arg4[%swap3A_679, %swap3A_680], %swap3A_683 {strides = array<i32>} : memref<2x512xf32, #tpu.memory_space<vmem>>, vector<1x16xf32>,
    %get3A_684 = arith.constant 1 : i32
    %get3A_685 = arith.index_cast %get3A_684 : i32 to index
    %get3A_686 = arith.constant 256 : index
    %get3A_687 = tpu.vector_load %arg4[%get3A_685, %get3A_686] {strides = array<i32>} : memref<2x512xf32, #tpu.memory_space<vmem>>, vector<1x16xf32>,
    %get3A_688 = vector.shape_cast %get3A_687 : vector<1x16xf32> to vector<16xf32>
    %max3A_689 = arith.constant 0.000000e+00 : f32
    %max3A_690 = vector.broadcast %max3A_689 : f32 to vector<16xf32>
    %max3A_691 = arith.maximumf %get3A_688, %max3A_690 : vector<16xf32>
    %swap3A_692 = arith.constant 1 : i32
    %swap3A_693 = arith.index_cast %swap3A_692 : i32 to index
    %swap3A_694 = arith.constant 256 : index
    %swap3A_695 = tpu.vector_load %arg4[%swap3A_693, %swap3A_694] {strides = array<i32>} : memref<2x512xf32, #tpu.memory_space<vmem>>, vector<1x16xf32>,
    %swap3A_696 = vector.shape_cast %swap3A_695 : vector<1x16xf32> to vector<16xf32>
    %swap3A_697 = vector.shape_cast %max3A_691 : vector<16xf32> to vector<1x16xf32>
    tpu.vector_store %arg4[%swap3A_693, %swap3A_694], %swap3A_697 {strides = array<i32>} : memref<2x512xf32, #tpu.memory_space<vmem>>, vector<1x16xf32>,
    %get3A_698 = arith.constant 1 : i32
    %get3A_699 = arith.index_cast %get3A_698 : i32 to index
    %get3A_700 = arith.constant 272 : index
    %get3A_701 = tpu.vector_load %arg4[%get3A_699, %get3A_700] {strides = array<i32>} : memref<2x512xf32, #tpu.memory_space<vmem>>, vector<1x16xf32>,
    %get3A_702 = vector.shape_cast %get3A_701 : vector<1x16xf32> to vector<16xf32>
    %max3A_703 = arith.constant 0.000000e+00 : f32
    %max3A_704 = vector.broadcast %max3A_703 : f32 to vector<16xf32>
    %max3A_705 = arith.maximumf %get3A_702, %max3A_704 : vector<16xf32>
    %swap3A_706 = arith.constant 1 : i32
    %swap3A_707 = arith.index_cast %swap3A_706 : i32 to index
    %swap3A_708 = arith.constant 272 : index
    %swap3A_709 = tpu.vector_load %arg4[%swap3A_707, %swap3A_708] {strides = array<i32>} : memref<2x512xf32, #tpu.memory_space<vmem>>, vector<1x16xf32>,
    %swap3A_710 = vector.shape_cast %swap3A_709 : vector<1x16xf32> to vector<16xf32>
    %swap3A_711 = vector.shape_cast %max3A_705 : vector<16xf32> to vector<1x16xf32>
    tpu.vector_store %arg4[%swap3A_707, %swap3A_708], %swap3A_711 {strides = array<i32>} : memref<2x512xf32, #tpu.memory_space<vmem>>, vector<1x16xf32>,
    %get3A_712 = arith.constant 1 : i32
    %get3A_713 = arith.index_cast %get3A_712 : i32 to index
    %get3A_714 = arith.constant 288 : index
    %get3A_715 = tpu.vector_load %arg4[%get3A_713, %get3A_714] {strides = array<i32>} : memref<2x512xf32, #tpu.memory_space<vmem>>, vector<1x16xf32>,
    %get3A_716 = vector.shape_cast %get3A_715 : vector<1x16xf32> to vector<16xf32>
    %max3A_717 = arith.constant 0.000000e+00 : f32
    %max3A_718 = vector.broadcast %max3A_717 : f32 to vector<16xf32>
    %max3A_719 = arith.maximumf %get3A_716, %max3A_718 : vector<16xf32>
    %swap3A_720 = arith.constant 1 : i32
    %swap3A_721 = arith.index_cast %swap3A_720 : i32 to index
    %swap3A_722 = arith.constant 288 : index
    %swap3A_723 = tpu.vector_load %arg4[%swap3A_721, %swap3A_722] {strides = array<i32>} : memref<2x512xf32, #tpu.memory_space<vmem>>, vector<1x16xf32>,
    %swap3A_724 = vector.shape_cast %swap3A_723 : vector<1x16xf32> to vector<16xf32>
    %swap3A_725 = vector.shape_cast %max3A_719 : vector<16xf32> to vector<1x16xf32>
    tpu.vector_store %arg4[%swap3A_721, %swap3A_722], %swap3A_725 {strides = array<i32>} : memref<2x512xf32, #tpu.memory_space<vmem>>, vector<1x16xf32>,
    %get3A_726 = arith.constant 1 : i32
    %get3A_727 = arith.index_cast %get3A_726 : i32 to index
    %get3A_728 = arith.constant 304 : index
    %get3A_729 = tpu.vector_load %arg4[%get3A_727, %get3A_728] {strides = array<i32>} : memref<2x512xf32, #tpu.memory_space<vmem>>, vector<1x16xf32>,
    %get3A_730 = vector.shape_cast %get3A_729 : vector<1x16xf32> to vector<16xf32>
    %max3A_731 = arith.constant 0.000000e+00 : f32
    %max3A_732 = vector.broadcast %max3A_731 : f32 to vector<16xf32>
    %max3A_733 = arith.maximumf %get3A_730, %max3A_732 : vector<16xf32>
    %swap3A_734 = arith.constant 1 : i32
    %swap3A_735 = arith.index_cast %swap3A_734 : i32 to index
    %swap3A_736 = arith.constant 304 : index
    %swap3A_737 = tpu.vector_load %arg4[%swap3A_735, %swap3A_736] {strides = array<i32>} : memref<2x512xf32, #tpu.memory_space<vmem>>, vector<1x16xf32>,
    %swap3A_738 = vector.shape_cast %swap3A_737 : vector<1x16xf32> to vector<16xf32>
    %swap3A_739 = vector.shape_cast %max3A_733 : vector<16xf32> to vector<1x16xf32>
    tpu.vector_store %arg4[%swap3A_735, %swap3A_736], %swap3A_739 {strides = array<i32>} : memref<2x512xf32, #tpu.memory_space<vmem>>, vector<1x16xf32>,
    %get3A_740 = arith.constant 1 : i32
    %get3A_741 = arith.index_cast %get3A_740 : i32 to index
    %get3A_742 = arith.constant 320 : index
    %get3A_743 = tpu.vector_load %arg4[%get3A_741, %get3A_742] {strides = array<i32>} : memref<2x512xf32, #tpu.memory_space<vmem>>, vector<1x16xf32>,
    %get3A_744 = vector.shape_cast %get3A_743 : vector<1x16xf32> to vector<16xf32>
    %max3A_745 = arith.constant 0.000000e+00 : f32
    %max3A_746 = vector.broadcast %max3A_745 : f32 to vector<16xf32>
    %max3A_747 = arith.maximumf %get3A_744, %max3A_746 : vector<16xf32>
    %swap3A_748 = arith.constant 1 : i32
    %swap3A_749 = arith.index_cast %swap3A_748 : i32 to index
    %swap3A_750 = arith.constant 320 : index
    %swap3A_751 = tpu.vector_load %arg4[%swap3A_749, %swap3A_750] {strides = array<i32>} : memref<2x512xf32, #tpu.memory_space<vmem>>, vector<1x16xf32>,
    %swap3A_752 = vector.shape_cast %swap3A_751 : vector<1x16xf32> to vector<16xf32>
    %swap3A_753 = vector.shape_cast %max3A_747 : vector<16xf32> to vector<1x16xf32>
    tpu.vector_store %arg4[%swap3A_749, %swap3A_750], %swap3A_753 {strides = array<i32>} : memref<2x512xf32, #tpu.memory_space<vmem>>, vector<1x16xf32>,
    %get3A_754 = arith.constant 1 : i32
    %get3A_755 = arith.index_cast %get3A_754 : i32 to index
    %get3A_756 = arith.constant 336 : index
    %get3A_757 = tpu.vector_load %arg4[%get3A_755, %get3A_756] {strides = array<i32>} : memref<2x512xf32, #tpu.memory_space<vmem>>, vector<1x16xf32>,
    %get3A_758 = vector.shape_cast %get3A_757 : vector<1x16xf32> to vector<16xf32>
    %max3A_759 = arith.constant 0.000000e+00 : f32
    %max3A_760 = vector.broadcast %max3A_759 : f32 to vector<16xf32>
    %max3A_761 = arith.maximumf %get3A_758, %max3A_760 : vector<16xf32>
    %swap3A_762 = arith.constant 1 : i32
    %swap3A_763 = arith.index_cast %swap3A_762 : i32 to index
    %swap3A_764 = arith.constant 336 : index
    %swap3A_765 = tpu.vector_load %arg4[%swap3A_763, %swap3A_764] {strides = array<i32>} : memref<2x512xf32, #tpu.memory_space<vmem>>, vector<1x16xf32>,
    %swap3A_766 = vector.shape_cast %swap3A_765 : vector<1x16xf32> to vector<16xf32>
    %swap3A_767 = vector.shape_cast %max3A_761 : vector<16xf32> to vector<1x16xf32>
    tpu.vector_store %arg4[%swap3A_763, %swap3A_764], %swap3A_767 {strides = array<i32>} : memref<2x512xf32, #tpu.memory_space<vmem>>, vector<1x16xf32>,
    %get3A_768 = arith.constant 1 : i32
    %get3A_769 = arith.index_cast %get3A_768 : i32 to index
    %get3A_770 = arith.constant 352 : index
    %get3A_771 = tpu.vector_load %arg4[%get3A_769, %get3A_770] {strides = array<i32>} : memref<2x512xf32, #tpu.memory_space<vmem>>, vector<1x16xf32>,
    %get3A_772 = vector.shape_cast %get3A_771 : vector<1x16xf32> to vector<16xf32>
    %max3A_773 = arith.constant 0.000000e+00 : f32
    %max3A_774 = vector.broadcast %max3A_773 : f32 to vector<16xf32>
    %max3A_775 = arith.maximumf %get3A_772, %max3A_774 : vector<16xf32>
    %swap3A_776 = arith.constant 1 : i32
    %swap3A_777 = arith.index_cast %swap3A_776 : i32 to index
    %swap3A_778 = arith.constant 352 : index
    %swap3A_779 = tpu.vector_load %arg4[%swap3A_777, %swap3A_778] {strides = array<i32>} : memref<2x512xf32, #tpu.memory_space<vmem>>, vector<1x16xf32>,
    %swap3A_780 = vector.shape_cast %swap3A_779 : vector<1x16xf32> to vector<16xf32>
    %swap3A_781 = vector.shape_cast %max3A_775 : vector<16xf32> to vector<1x16xf32>
    tpu.vector_store %arg4[%swap3A_777, %swap3A_778], %swap3A_781 {strides = array<i32>} : memref<2x512xf32, #tpu.memory_space<vmem>>, vector<1x16xf32>,
    %get3A_782 = arith.constant 1 : i32
    %get3A_783 = arith.index_cast %get3A_782 : i32 to index
    %get3A_784 = arith.constant 368 : index
    %get3A_785 = tpu.vector_load %arg4[%get3A_783, %get3A_784] {strides = array<i32>} : memref<2x512xf32, #tpu.memory_space<vmem>>, vector<1x16xf32>,
    %get3A_786 = vector.shape_cast %get3A_785 : vector<1x16xf32> to vector<16xf32>
    %max3A_787 = arith.constant 0.000000e+00 : f32
    %max3A_788 = vector.broadcast %max3A_787 : f32 to vector<16xf32>
    %max3A_789 = arith.maximumf %get3A_786, %max3A_788 : vector<16xf32>
    %swap3A_790 = arith.constant 1 : i32
    %swap3A_791 = arith.index_cast %swap3A_790 : i32 to index
    %swap3A_792 = arith.constant 368 : index
    %swap3A_793 = tpu.vector_load %arg4[%swap3A_791, %swap3A_792] {strides = array<i32>} : memref<2x512xf32, #tpu.memory_space<vmem>>, vector<1x16xf32>,
    %swap3A_794 = vector.shape_cast %swap3A_793 : vector<1x16xf32> to vector<16xf32>
    %swap3A_795 = vector.shape_cast %max3A_789 : vector<16xf32> to vector<1x16xf32>
    tpu.vector_store %arg4[%swap3A_791, %swap3A_792], %swap3A_795 {strides = array<i32>} : memref<2x512xf32, #tpu.memory_space<vmem>>, vector<1x16xf32>,
    %get3A_796 = arith.constant 1 : i32
    %get3A_797 = arith.index_cast %get3A_796 : i32 to index
    %get3A_798 = arith.constant 384 : index
    %get3A_799 = tpu.vector_load %arg4[%get3A_797, %get3A_798] {strides = array<i32>} : memref<2x512xf32, #tpu.memory_space<vmem>>, vector<1x16xf32>,
    %get3A_800 = vector.shape_cast %get3A_799 : vector<1x16xf32> to vector<16xf32>
    %max3A_801 = arith.constant 0.000000e+00 : f32
    %max3A_802 = vector.broadcast %max3A_801 : f32 to vector<16xf32>
    %max3A_803 = arith.maximumf %get3A_800, %max3A_802 : vector<16xf32>
    %swap3A_804 = arith.constant 1 : i32
    %swap3A_805 = arith.index_cast %swap3A_804 : i32 to index
    %swap3A_806 = arith.constant 384 : index
    %swap3A_807 = tpu.vector_load %arg4[%swap3A_805, %swap3A_806] {strides = array<i32>} : memref<2x512xf32, #tpu.memory_space<vmem>>, vector<1x16xf32>,
    %swap3A_808 = vector.shape_cast %swap3A_807 : vector<1x16xf32> to vector<16xf32>
    %swap3A_809 = vector.shape_cast %max3A_803 : vector<16xf32> to vector<1x16xf32>
    tpu.vector_store %arg4[%swap3A_805, %swap3A_806], %swap3A_809 {strides = array<i32>} : memref<2x512xf32, #tpu.memory_space<vmem>>, vector<1x16xf32>,
    %get3A_810 = arith.constant 1 : i32
    %get3A_811 = arith.index_cast %get3A_810 : i32 to index
    %get3A_812 = arith.constant 400 : index
    %get3A_813 = tpu.vector_load %arg4[%get3A_811, %get3A_812] {strides = array<i32>} : memref<2x512xf32, #tpu.memory_space<vmem>>, vector<1x16xf32>,
    %get3A_814 = vector.shape_cast %get3A_813 : vector<1x16xf32> to vector<16xf32>
    %max3A_815 = arith.constant 0.000000e+00 : f32
    %max3A_816 = vector.broadcast %max3A_815 : f32 to vector<16xf32>
    %max3A_817 = arith.maximumf %get3A_814, %max3A_816 : vector<16xf32>
    %swap3A_818 = arith.constant 1 : i32
    %swap3A_819 = arith.index_cast %swap3A_818 : i32 to index
    %swap3A_820 = arith.constant 400 : index
    %swap3A_821 = tpu.vector_load %arg4[%swap3A_819, %swap3A_820] {strides = array<i32>} : memref<2x512xf32, #tpu.memory_space<vmem>>, vector<1x16xf32>,
    %swap3A_822 = vector.shape_cast %swap3A_821 : vector<1x16xf32> to vector<16xf32>
    %swap3A_823 = vector.shape_cast %max3A_817 : vector<16xf32> to vector<1x16xf32>
    tpu.vector_store %arg4[%swap3A_819, %swap3A_820], %swap3A_823 {strides = array<i32>} : memref<2x512xf32, #tpu.memory_space<vmem>>, vector<1x16xf32>,
    %get3A_824 = arith.constant 1 : i32
    %get3A_825 = arith.index_cast %get3A_824 : i32 to index
    %get3A_826 = arith.constant 416 : index
    %get3A_827 = tpu.vector_load %arg4[%get3A_825, %get3A_826] {strides = array<i32>} : memref<2x512xf32, #tpu.memory_space<vmem>>, vector<1x16xf32>,
    %get3A_828 = vector.shape_cast %get3A_827 : vector<1x16xf32> to vector<16xf32>
    %max3A_829 = arith.constant 0.000000e+00 : f32
    %max3A_830 = vector.broadcast %max3A_829 : f32 to vector<16xf32>
    %max3A_831 = arith.maximumf %get3A_828, %max3A_830 : vector<16xf32>
    %swap3A_832 = arith.constant 1 : i32
    %swap3A_833 = arith.index_cast %swap3A_832 : i32 to index
    %swap3A_834 = arith.constant 416 : index
    %swap3A_835 = tpu.vector_load %arg4[%swap3A_833, %swap3A_834] {strides = array<i32>} : memref<2x512xf32, #tpu.memory_space<vmem>>, vector<1x16xf32>,
    %swap3A_836 = vector.shape_cast %swap3A_835 : vector<1x16xf32> to vector<16xf32>
    %swap3A_837 = vector.shape_cast %max3A_831 : vector<16xf32> to vector<1x16xf32>
    tpu.vector_store %arg4[%swap3A_833, %swap3A_834], %swap3A_837 {strides = array<i32>} : memref<2x512xf32, #tpu.memory_space<vmem>>, vector<1x16xf32>,
    %get3A_838 = arith.constant 1 : i32
    %get3A_839 = arith.index_cast %get3A_838 : i32 to index
    %get3A_840 = arith.constant 432 : index
    %get3A_841 = tpu.vector_load %arg4[%get3A_839, %get3A_840] {strides = array<i32>} : memref<2x512xf32, #tpu.memory_space<vmem>>, vector<1x16xf32>,
    %get3A_842 = vector.shape_cast %get3A_841 : vector<1x16xf32> to vector<16xf32>
    %max3A_843 = arith.constant 0.000000e+00 : f32
    %max3A_844 = vector.broadcast %max3A_843 : f32 to vector<16xf32>
    %max3A_845 = arith.maximumf %get3A_842, %max3A_844 : vector<16xf32>
    %swap3A_846 = arith.constant 1 : i32
    %swap3A_847 = arith.index_cast %swap3A_846 : i32 to index
    %swap3A_848 = arith.constant 432 : index
    %swap3A_849 = tpu.vector_load %arg4[%swap3A_847, %swap3A_848] {strides = array<i32>} : memref<2x512xf32, #tpu.memory_space<vmem>>, vector<1x16xf32>,
    %swap3A_850 = vector.shape_cast %swap3A_849 : vector<1x16xf32> to vector<16xf32>
    %swap3A_851 = vector.shape_cast %max3A_845 : vector<16xf32> to vector<1x16xf32>
    tpu.vector_store %arg4[%swap3A_847, %swap3A_848], %swap3A_851 {strides = array<i32>} : memref<2x512xf32, #tpu.memory_space<vmem>>, vector<1x16xf32>,
    %get3A_852 = arith.constant 1 : i32
    %get3A_853 = arith.index_cast %get3A_852 : i32 to index
    %get3A_854 = arith.constant 448 : index
    %get3A_855 = tpu.vector_load %arg4[%get3A_853, %get3A_854] {strides = array<i32>} : memref<2x512xf32, #tpu.memory_space<vmem>>, vector<1x16xf32>,
    %get3A_856 = vector.shape_cast %get3A_855 : vector<1x16xf32> to vector<16xf32>
    %max3A_857 = arith.constant 0.000000e+00 : f32
    %max3A_858 = vector.broadcast %max3A_857 : f32 to vector<16xf32>
    %max3A_859 = arith.maximumf %get3A_856, %max3A_858 : vector<16xf32>
    %swap3A_860 = arith.constant 1 : i32
    %swap3A_861 = arith.index_cast %swap3A_860 : i32 to index
    %swap3A_862 = arith.constant 448 : index
    %swap3A_863 = tpu.vector_load %arg4[%swap3A_861, %swap3A_862] {strides = array<i32>} : memref<2x512xf32, #tpu.memory_space<vmem>>, vector<1x16xf32>,
    %swap3A_864 = vector.shape_cast %swap3A_863 : vector<1x16xf32> to vector<16xf32>
    %swap3A_865 = vector.shape_cast %max3A_859 : vector<16xf32> to vector<1x16xf32>
    tpu.vector_store %arg4[%swap3A_861, %swap3A_862], %swap3A_865 {strides = array<i32>} : memref<2x512xf32, #tpu.memory_space<vmem>>, vector<1x16xf32>,
    %get3A_866 = arith.constant 1 : i32
    %get3A_867 = arith.index_cast %get3A_866 : i32 to index
    %get3A_868 = arith.constant 464 : index
    %get3A_869 = tpu.vector_load %arg4[%get3A_867, %get3A_868] {strides = array<i32>} : memref<2x512xf32, #tpu.memory_space<vmem>>, vector<1x16xf32>,
    %get3A_870 = vector.shape_cast %get3A_869 : vector<1x16xf32> to vector<16xf32>
    %max3A_871 = arith.constant 0.000000e+00 : f32
    %max3A_872 = vector.broadcast %max3A_871 : f32 to vector<16xf32>
    %max3A_873 = arith.maximumf %get3A_870, %max3A_872 : vector<16xf32>
    %swap3A_874 = arith.constant 1 : i32
    %swap3A_875 = arith.index_cast %swap3A_874 : i32 to index
    %swap3A_876 = arith.constant 464 : index
    %swap3A_877 = tpu.vector_load %arg4[%swap3A_875, %swap3A_876] {strides = array<i32>} : memref<2x512xf32, #tpu.memory_space<vmem>>, vector<1x16xf32>,
    %swap3A_878 = vector.shape_cast %swap3A_877 : vector<1x16xf32> to vector<16xf32>
    %swap3A_879 = vector.shape_cast %max3A_873 : vector<16xf32> to vector<1x16xf32>
    tpu.vector_store %arg4[%swap3A_875, %swap3A_876], %swap3A_879 {strides = array<i32>} : memref<2x512xf32, #tpu.memory_space<vmem>>, vector<1x16xf32>,
    %get3A_880 = arith.constant 1 : i32
    %get3A_881 = arith.index_cast %get3A_880 : i32 to index
    %get3A_882 = arith.constant 480 : index
    %get3A_883 = tpu.vector_load %arg4[%get3A_881, %get3A_882] {strides = array<i32>} : memref<2x512xf32, #tpu.memory_space<vmem>>, vector<1x16xf32>,
    %get3A_884 = vector.shape_cast %get3A_883 : vector<1x16xf32> to vector<16xf32>
    %max3A_885 = arith.constant 0.000000e+00 : f32
    %max3A_886 = vector.broadcast %max3A_885 : f32 to vector<16xf32>
    %max3A_887 = arith.maximumf %get3A_884, %max3A_886 : vector<16xf32>
    %swap3A_888 = arith.constant 1 : i32
    %swap3A_889 = arith.index_cast %swap3A_888 : i32 to index
    %swap3A_890 = arith.constant 480 : index
    %swap3A_891 = tpu.vector_load %arg4[%swap3A_889, %swap3A_890] {strides = array<i32>} : memref<2x512xf32, #tpu.memory_space<vmem>>, vector<1x16xf32>,
    %swap3A_892 = vector.shape_cast %swap3A_891 : vector<1x16xf32> to vector<16xf32>
    %swap3A_893 = vector.shape_cast %max3A_887 : vector<16xf32> to vector<1x16xf32>
    tpu.vector_store %arg4[%swap3A_889, %swap3A_890], %swap3A_893 {strides = array<i32>} : memref<2x512xf32, #tpu.memory_space<vmem>>, vector<1x16xf32>,
    %get3A_894 = arith.constant 1 : i32
    %get3A_895 = arith.index_cast %get3A_894 : i32 to index
    %get3A_896 = arith.constant 496 : index
    %get3A_897 = tpu.vector_load %arg4[%get3A_895, %get3A_896] {strides = array<i32>} : memref<2x512xf32, #tpu.memory_space<vmem>>, vector<1x16xf32>,
    %get3A_898 = vector.shape_cast %get3A_897 : vector<1x16xf32> to vector<16xf32>
    %max3A_899 = arith.constant 0.000000e+00 : f32
    %max3A_900 = vector.broadcast %max3A_899 : f32 to vector<16xf32>
    %max3A_901 = arith.maximumf %get3A_898, %max3A_900 : vector<16xf32>
    %swap3A_902 = arith.constant 1 : i32
    %swap3A_903 = arith.index_cast %swap3A_902 : i32 to index
    %swap3A_904 = arith.constant 496 : index
    %swap3A_905 = tpu.vector_load %arg4[%swap3A_903, %swap3A_904] {strides = array<i32>} : memref<2x512xf32, #tpu.memory_space<vmem>>, vector<1x16xf32>,
    %swap3A_906 = vector.shape_cast %swap3A_905 : vector<1x16xf32> to vector<16xf32>
    %swap3A_907 = vector.shape_cast %max3A_901 : vector<16xf32> to vector<1x16xf32>
    tpu.vector_store %arg4[%swap3A_903, %swap3A_904], %swap3A_907 {strides = array<i32>} : memref<2x512xf32, #tpu.memory_space<vmem>>, vector<1x16xf32>,
    %run_scoped3A_908 = arith.constant 1 : i32
    "tpu.region"() ({
      %run_scoped3A_909 = tpu.sem_alloc : memref<!tpu.dma_semaphore, #tpu.memory_space<semaphore_mem>>
      %dma_start3A = arith.constant 0 : i32
      %dma_start3A_910 = tpu.memref_slice %arg4[%run_scoped3A_908, %dma_start3A] : memref<2x512xf32, #tpu.memory_space<vmem>> -> memref<1x512xf32, #tpu.memory_space<vmem>>
      %dma_start3A_911 = tpu.memref_squeeze %dma_start3A_910 : memref<1x512xf32, #tpu.memory_space<vmem>> -> memref<512xf32, #tpu.memory_space<vmem>>
      %dma_start3A_912 = arith.constant 0 : i32
      %dma_start3A_913 = tpu.memref_slice %arg2[%mul3A_458, %dma_start3A_912] : memref<100000x512xf32, #tpu.memory_space<hbm>> -> memref<1x512xf32, #tpu.memory_space<hbm>>
      %dma_start3A_914 = tpu.memref_squeeze %dma_start3A_913 : memref<1x512xf32, #tpu.memory_space<hbm>> -> memref<512xf32, #tpu.memory_space<hbm>>
      %dma_start3A_915 = arith.constant 0 : i32
      %dma_start3A_916 = tpu.memref_slice %arg2[%mul3A_458, %dma_start3A_915] : memref<100000x512xf32, #tpu.memory_space<hbm>> -> memref<1x512xf32, #tpu.memory_space<hbm>>
      %dma_start3A_917 = tpu.memref_squeeze %dma_start3A_916 : memref<1x512xf32, #tpu.memory_space<hbm>> -> memref<512xf32, #tpu.memory_space<hbm>>
      %dma_start3A_918 = arith.constant 0 : i32
      %dma_start3A_919 = tpu.memref_slice %arg4[%run_scoped3A_908, %dma_start3A_918] : memref<2x512xf32, #tpu.memory_space<vmem>> -> memref<1x512xf32, #tpu.memory_space<vmem>>
      %dma_start3A_920 = tpu.memref_squeeze %dma_start3A_919 : memref<1x512xf32, #tpu.memory_space<vmem>> -> memref<512xf32, #tpu.memory_space<vmem>>
      tpu.enqueue_dma source(%dma_start3A_920 : memref<512xf32, #tpu.memory_space<vmem>>) target(%dma_start3A_917 : memref<512xf32, #tpu.memory_space<hbm>>) target_semaphore(%run_scoped3A_909 : memref<!tpu.dma_semaphore, #tpu.memory_space<semaphore_mem>>)
      %dma_wait3A = arith.constant 0 : i32
      %dma_wait3A_921 = tpu.memref_slice %arg4[%run_scoped3A_908, %dma_wait3A] : memref<2x512xf32, #tpu.memory_space<vmem>> -> memref<1x512xf32, #tpu.memory_space<vmem>>
      %dma_wait3A_922 = tpu.memref_squeeze %dma_wait3A_921 : memref<1x512xf32, #tpu.memory_space<vmem>> -> memref<512xf32, #tpu.memory_space<vmem>>
      %dma_wait3A_923 = arith.constant 0 : i32
      %dma_wait3A_924 = tpu.memref_slice %arg2[%mul3A_458, %dma_wait3A_923] : memref<100000x512xf32, #tpu.memory_space<hbm>> -> memref<1x512xf32, #tpu.memory_space<hbm>>
      %dma_wait3A_925 = tpu.memref_squeeze %dma_wait3A_924 : memref<1x512xf32, #tpu.memory_space<hbm>> -> memref<512xf32, #tpu.memory_space<hbm>>
      %dma_wait3A_926 = arith.constant 0 : i32
      %dma_wait3A_927 = tpu.memref_slice %arg2[%mul3A_458, %dma_wait3A_926] : memref<100000x512xf32, #tpu.memory_space<hbm>> -> memref<1x512xf32, #tpu.memory_space<hbm>>
      %dma_wait3A_928 = tpu.memref_squeeze %dma_wait3A_927 : memref<1x512xf32, #tpu.memory_space<hbm>> -> memref<512xf32, #tpu.memory_space<hbm>>
      %dma_wait3A_929 = arith.constant 0 : i32
      %dma_wait3A_930 = tpu.memref_slice %arg4[%run_scoped3A_908, %dma_wait3A_929] : memref<2x512xf32, #tpu.memory_space<vmem>> -> memref<1x512xf32, #tpu.memory_space<vmem>>
      %dma_wait3A_931 = tpu.memref_squeeze %dma_wait3A_930 : memref<1x512xf32, #tpu.memory_space<vmem>> -> memref<512xf32, #tpu.memory_space<vmem>>
      tpu.wait_dma2 semaphore(%run_scoped3A_909 : memref<!tpu.dma_semaphore, #tpu.memory_space<semaphore_mem>>) src(%dma_wait3A_931 : memref<512xf32, #tpu.memory_space<vmem>>) dst(%dma_wait3A_928 : memref<512xf32, #tpu.memory_space<hbm>>)
      tpu.yield
    }) : () -> ()
    return
  }
}

module attributes {stable_mosaic.version = 14 : i64} {
  func.func @_copy_body(%arg0: i32, %arg1: memref<1000x512xf32, #tpu.memory_space<vmem>>, %arg2: memref<1000x512xf32, #tpu.memory_space<vmem>>) attributes {dimension_semantics = [#tpu.dimension_semantics<arbitrary>], iteration_bounds = array<i64: 100>, scalar_prefetch = 0 : i64, scratch_operands = 0 : i64, tpu.core_type = #tpu.core_type<tc>, window_params = [{transform_indices = @transform_0, window_bounds = array<i64: 1000, 512>}, {transform_indices = @transform_1, window_bounds = array<i64: 1000, 512>}]} {
    %get3A = arith.constant 0 : index
    %get3A_0 = arith.constant 0 : index
    %get3A_1 = vector.load %arg1[%get3A, %get3A_0] : memref<1000x512xf32, #tpu.memory_space<vmem>>, vector<1000x512xf32>
    %swap3A = arith.constant 0 : index
    %swap3A_2 = arith.constant 0 : index
    %swap3A_3 = vector.load %arg2[%swap3A, %swap3A_2] : memref<1000x512xf32, #tpu.memory_space<vmem>>, vector<1000x512xf32>
    tpu.vector_store %arg2[%swap3A, %swap3A_2], %get3A_1 {strides = array<i32>} : memref<1000x512xf32, #tpu.memory_space<vmem>>, vector<1000x512xf32>,
    return
  }
  func.func @transform_0(%arg0: i32) -> (i32, i32) {
    %c0_i32 = arith.constant 0 : i32
    %c0_i32_0 = arith.constant 0 : i32
    return %arg0, %c0_i32 : i32, i32
  }
  func.func @transform_1(%arg0: i32) -> (i32, i32) {
    %c0_i32 = arith.constant 0 : i32
    %c0_i32_0 = arith.constant 0 : i32
    return %arg0, %c0_i32 : i32, i32
  }
}

</mosaic_0001>

<sc_bundles>
// kernel: kernel.4.cloned.1.call-start
scs
__scs_entry_jumppad:
0x0: {  	(pc) =	sbr.rel $0x88, $3  }
0x1: {  	(tag) =	ssettag $0x0;
	lr =	simm.s32 $0x1  }
0x2: {  	[smem:$0x3FA0] =	sst lr;
	_ =	strace $0xD0000000  }
0x3: {  	_ = 	snop  }
0x4: {  	_ = 	snop  }
0x5: {  	_ = 	snop  }
0x6: {  	_ = 	snop  }
0x7: {  	_ = 	snop  }
__scs_overlays_trampoline_lowered:
0x8: {  	[smem:$0x3FAF] =	sst s0  }
0x9: {  	[smem:$0x3FB0] =	sst s1  }
0xa: {  	[smem:$0x3FB1] =	sst s2  }
0xb: {  	[smem:$0x3FB2] =	sst s3  }
0xc: {  	[smem:$0x3FB3] =	sst s4  }
0xd: {  	[smem:$0x3FB4] =	sst s5  }
0xe: {  	[smem:$0x3FB5] =	sst s6  }
0xf: {  	[smem:$0x3FB6] =	sst s7  }
0x10: {  	[smem:$0x3FB7] =	sst s8  }
0x11: {  	[smem:$0x3FB8] =	sst s9;
	s0 =	simm.s32 @!p0 $0x0  }
0x12: {  	s1 =	sld [smem:$0x3F9E];
	s0 =	simm.s32 @p0 $0x1  }
0x13: {  	[smem:$0x3FB9] =	sst s0;
	s0 =	simm.s32 @!p1 $0x0  }
0x14: {  	s2 =	sld [smem:$0x3F9D];
	s0 =	simm.s32 @p1 $0x1  }
0x15: {  	[smem:$0x3FBA] =	sst s0;
	s0 =	simm.s32 @!p2 $0x0  }
0x16: {  	s3 =	sld [smem:$0x3FDB];
	s0 =	simm.s32 @p2 $0x1  }
0x17: {  	s4 =	simm.s32 $0x1BF5;
	[smem:$0x3FBC] =	sst s0  }
0x18: {  	s0 =	sld [smem:$0x3F9F];
	_ =	swait.ge [sflag:s4], $0x0  }
0x19: {  	s7 =	sld [smem:$0x3FA0]  }
0x1a: {  	s8 =	sadd.s32 $0xFFFFE003, lr  }
0x1b: {  	s9 =	sadd.s32 $0xFFFFFEF7, lr;
	s5 =	simm.s32 $0xFFFFFFFF;
	p2 =	slt.u32 s8, $0xFFFFF086  }
0x1c: {  	p1 =	slt.u32 s9, $0xF7A;
	s5 =	simm.s32 @!p2 $0x0  }
0x1d: {  	s5 =	simm.s32 @p1 $0x1;
	p0 =	seq.s32 s7, s2  }
0x1e: {  	s7 =	smul.u32 @!p0 $0xF7A, s2;
	p2 =	seq.s32 @!p0 s5, $0x0  }
0x1f: {  	s9 =	smul.u32 $0xF7A, s1;
	s8 =	simm.s32 @!p0 $0x1BF5;
	p2 =	por !p2, p0  }
0x20: {  	[sflag:s8] =	ssyncset.s32 @!p0 $0xFFFFF086;
	s6 =	sadd.s32 @!p0 s3, s7;
	s7 =	simm.s32 @!p0 $0x108  }
0x21: {  	s3 =	sadd.s32 s3, s9;
	s6 =	sadd.s32 @!p0 $0x88, s6;
	s7 =	simm.s32 @p2 $0x1082  }
0x22: {  	[simem:s7], [sflag:s8] =	dma.local @!p0 [hbm:s6], $0xF7A  }
0x23: {  	s9 =	sor.u32 $0xD0000000, s2;
	s6 =	simm.s32 $0x108;
	_ =	swait.ge @!p0 [sflag:s8], $0x0  }
0x24: {  	s3 =	sadd.s32 $0x88, s3;
	s6 =	simm.s32 @!p1 $0x1082;
	[sflag:s4] =	ssyncset.s32 $0xFFFFF086  }
0x25: {  	[simem:s6], [sflag:s4] =	dma.local [hbm:s3], $0xF7A  }
0x26: {  	[smem:$0x3FA0] =	sst s1;
	(tag) =	ssettag s2;
	_ =	strace s9  }
0x27: {  	s1 =	sld [smem:$0x3FB0]  }
0x28: {  	s2 =	sld [smem:$0x3FB1]  }
0x29: {  	s4 =	sld [smem:$0x3FB3]  }
0x2a: {  	p0 =	seq.s32 s5, $0x0;
	s5 =	sld [smem:$0x3FB4]  }
0x2b: {  	s6 =	sld [smem:$0x3FB5]  }
0x2c: {  	s7 =	sld [smem:$0x3FB6]  }
0x2d: {  	s3 =	simm.s32 $0x108;
	s8 =	sld [smem:$0x3FB7]  }
0x2e: {  	s3 =	simm.s32 @!p0 $0x1082;
	s9 =	sld [smem:$0x3FB8]  }
0x2f: {  	lr =	sadd.s32 s0, s3;
	s0 =	sld [smem:$0x3FAF]  }
0x30: {  	s3 =	sld [smem:$0x3FB2]  }
0x31: {  	[smem:$0x3FBB] =	sst s10  }
0x32: {  	s10 =	sld [smem:$0x3FB9];
	_ =	sdelay $0x3  }
0x33: {  	p0 =	seq.s32 s10, $0x1;
	s10 =	sld [smem:$0x3FBB];
	_ =	sdelay $0x3  }
0x34: {  	[smem:$0x3FBB] =	sst s10  }
0x35: {  	s10 =	sld [smem:$0x3FBA];
	_ =	sdelay $0x3  }
0x36: {  	p1 =	seq.s32 s10, $0x1;
	s10 =	sld [smem:$0x3FBB];
	_ =	sdelay $0x3  }
0x37: {  	[smem:$0x3FBB] =	sst s10  }
0x38: {  	s10 =	sld [smem:$0x3FBC]  }
0x39: {  	_ = 	snop;
	(pc) =	sbr.ind lr, $3  }
0x3a: {  	_ = 	snop  }
0x3b: {  	_ = 	snop  }
0x3c: {  	p2 =	seq.s32 s10, $0x1;
	s10 =	sld [smem:$0x3FBB]  }
0x3d: {  	_ =	shalt  }
0x3e: {  	_ =	shalt  }
0x3f: {  	_ =	shalt  }
0x40: {  	_ =	shalt  }
0x41: {  	_ =	shalt  }
0x42: {  	_ =	shalt  }
0x43: {  	_ =	shalt  }
0x44: {  	_ =	shalt  }
0x45: {  	_ =	shalt  }
0x46: {  	_ =	shalt  }
0x47: {  	_ =	shalt  }
0x48: {  	_ =	shalt  }
0x49: {  	_ =	shalt  }
0x4a: {  	_ =	shalt  }
0x4b: {  	_ =	shalt  }
0x4c: {  	_ =	shalt  }
0x4d: {  	_ =	shalt  }
0x4e: {  	_ =	shalt  }
0x4f: {  	_ =	shalt  }
0x50: {  	_ =	shalt  }
0x51: {  	_ =	shalt  }
0x52: {  	_ =	shalt  }
0x53: {  	_ =	shalt  }
0x54: {  	_ =	shalt  }
0x55: {  	_ =	shalt  }
0x56: {  	_ =	shalt  }
0x57: {  	_ =	shalt  }
0x58: {  	_ =	shalt  }
0x59: {  	_ =	shalt  }
0x5a: {  	_ =	shalt  }
0x5b: {  	_ =	shalt  }
0x5c: {  	_ =	shalt  }
0x5d: {  	_ =	shalt  }
0x5e: {  	_ =	shalt  }
0x5f: {  	_ =	shalt  }
0x60: {  	_ =	shalt  }
0x61: {  	_ =	shalt  }
0x62: {  	_ =	shalt  }
0x63: {  	_ =	shalt  }
0x64: {  	_ =	shalt  }
0x65: {  	_ =	shalt  }
0x66: {  	_ =	shalt  }
0x67: {  	_ =	shalt  }
0x68: {  	_ =	shalt  }
0x69: {  	_ =	shalt  }
0x6a: {  	_ =	shalt  }
0x6b: {  	_ =	shalt  }
0x6c: {  	_ =	shalt  }
0x6d: {  	_ =	shalt  }
0x6e: {  	_ =	shalt  }
0x6f: {  	_ =	shalt  }
0x70: {  	_ =	shalt  }
0x71: {  	_ =	shalt  }
0x72: {  	_ =	shalt  }
0x73: {  	_ =	shalt  }
0x74: {  	_ =	shalt  }
0x75: {  	_ =	shalt  }
0x76: {  	_ =	shalt  }
0x77: {  	_ =	shalt  }
0x78: {  	_ =	shalt  }
0x79: {  	_ =	shalt  }
0x7a: {  	_ =	shalt  }
0x7b: {  	_ =	shalt  }
0x7c: {  	_ =	shalt  }
0x7d: {  	_ =	shalt  }
0x7e: {  	_ =	shalt  }
0x7f: {  	_ =	shalt  }
0x80: {  	_ =	shalt  }
0x81: {  	_ =	shalt  }
0x82: {  	_ =	shalt  }
0x83: {  	_ =	shalt  }
0x84: {  	_ =	shalt  }
0x85: {  	_ =	shalt  }
0x86: {  	_ =	shalt  }
0x87: {  	_ =	shalt  }
.Lfunc_end0:
.L_simem_size_0:
called_computation_lowered:
.L_overlay_start_0:
0x88: {  	s2 =	sld [smem:$0x3FD9]  }
0x89: {  	s3 =	sld [smem:$0x3FFE];
	_ =	sdelay $0x1  }
0x8a: {  	s1 =	srdreg.scid  }
0x8b: {  	s0 =	sand.u32 $0x1, s1  }
0x8c: {  	s18 =	sshll.u32 s0, $0xA;
	s2 =	sadd.s32 s3, s2  }
0x8d: {  	s2 =	sadd.s32 s2, s18  }
0x8e: {  	[smem:$0x3FC7] =	sst s2  }
0x8f: {  	_ = 	snop  }
0x90: {  	s2 =	sld [smem:$0x3FD0];
	(tm) =	ssettm $0x1  }
0x91: {  	s19 =	sld [smem:$0x3FFB];
	_ =	sdelay $0x3  }
0x92: {  	_ =	strace s19  }
0x93: {  	s3 =	sld [smem:$0x3FFC];
	_ =	sdelay $0x3  }
0x94: {  	_ =	strace s3  }
0x95: {  	s3 =	sld [smem:$0x3FFD];
	_ =	sdelay $0x3  }
0x96: {  	_ =	strace s3  }
0x97: {  	_ =	strace $0x8FFFFFFF  }
0x98: {  	s20 =	sld [smem:$0x3FDB];
	_ =	sdelay $0x1  }
0x99: {  	s4 =	simm.s32 $_scs_section_size  }
0x9a: {  	s5 =	simm.s32 $_size__tile_overlayer_lowered;
	s6 =	simm.s32 $_tile_overlayer_lowered  }
0x9b: {  	s23 =	simm.s32 $0x1BFF;
	s22 =	sshll.u32 s6, $0x1;
	s3 =	sadd.s32 s4, s20  }
0x9c: {  	s7 =	simm.s32 $0x0;
	s21 =	sshll.u32 s5, $0x1;
	s5 =	sadd.s32 s22, s3  }
0x9d: {  	[timem:s7], [sflag:s23] =	dma.local [hbm:s5], s21  }
0x9e: {  	_ =	swait.ge [sflag:s23], s21  }
0x9f: {  	s4 =	ssub.s32 $0x0, s21;
	[sflag:s23] =	ssyncset.done $0x0  }
0xa0: {  	[sflag:s23] =	ssyncadd.s32 s4;
	_ =	sdelay $0x1  }
0xa1: {  	s24 =	simm.s32 $0x1B8B  }
0xa2: {  	_ =	swait.ge [sflag:s24], $0x1  }
0xa3: {  	[sflag:s24] =	ssyncset.done $0x0  }
0xa4: {  	s25 =	simm.s32 $0x1B8E;
	[sflag:s24] =	ssyncadd.s32 $0xFFFFFFFF  }
0xa5: {  	s26 =	simm.s32 $execute0_lowered;
	[smem:$0x3FD2] =	sst s25  }
0xa6: {  	s4 =	sshll.u32 s26, $0x1;
	_ =	strace $0x80000046;
	[dreg:$0x1] =	wrdreg $0xFFFFFFFF  }
0xa7: {  	s28 =	simm.s32 $_size_execute0_lowered;
	s3 =	sadd.s32 s3, s4;
	[dreg:$0x0] =	wrdreg $0x0  }
0xa8: {  	s4 =	sshll.u32 s28, $0x1;
	[dreg:$0x2] =	wrdreg s3  }
0xa9: {  	[dreg:$0x3] =	wrdreg s4  }
0xaa: {  	[dreg:$0x4] =	wrdreg $0xC0  }
0xab: {  	_ =	task [dreg:s7], $0x5FFFF  }
0xac: {  	[dreg:$0x1] =	wrdreg $0xFFFFFFFF  }
0xad: {  	[dreg:$0x0] =	wrdreg $0x60  }
0xae: {  	[dreg:$0x2] =	wrdreg s2  }
0xaf: {  	[dreg:$0x3] =	wrdreg $0x9  }
0xb0: {  	_ =	task.clear_ibuf [dreg:s7], $0x4FFFF;
	_ =	strace $0x90000046  }
0xb1: {  	s29 =	simm.s32 $0x9;
	_ =	strace $0x80000048  }
0xb2: {  	_ =	swait.ge [sflag:s29], $0x1  }
0xb3: {  	[sflag:s29] =	ssyncadd.s32 $0xFFFFFFFF  }
0xb4: {  	_ =	strace $0x90000048  }
0xb5: {  	_ =	sfence  }
0xb6: {  	s30 =	sld [smem:$0x0];
	_ =	sdelay $0x2  }
0xb7: {  	s31 =	sshll.u32 s1, $0xD;
	s1 =	sshrl.u32 s1, $0x2  }
0xb8: {  	s3 =	sand.u32 $0x4000, s31;
	s1 =	sadd.s32 s1, s30  }
0xb9: {  	s0 =	sor.u32 s3, s0;
	s1 =	sshll.u32 s1, $0x11  }
0xba: {  	s0 =	sor.u32 s1, s0  }
0xbb: {  	s0 =	sadd.s32 $0x8F2B, s0  }
0xbc: {  	[sflag:s0] =	ssyncadd.remote.s32 $0x1  }
0xbd: {  	_ =	sfence.sel $0xFFFF  }
0xbe: {  	[dreg:$0x0] =	wrdreg $0xFFFFFFFF;
	(pc) =	sbr.abs _section_cstart, $3  }
0xbf: {  	[dreg:$0x1] =	wrdreg $0xFFFFFFFF  }
0xc0: {  	_ =	task.clear_ibuf [dreg:s7], $0x2FFFF;
	_ =	strace $0x9FFFFFFF  }
0xc1: {  	(tm) =	ssettm $0x7FFFFFFF  }
tec
execute0_lowered:
.L_overlay_start_1:
0x0: {  	(tag) =	ssettag $0x1  }
0x1: {  	s1 =	srdreg.scid  }
0x2: {  	s0 =	stileid.u32;
	s4 =	rddreg [dreg:$0x0];
	s2 =	simm.s32 $0x0  }
0x3: {  	s9 =	simm.s32 $0x100;
	s10 =	simm.s32 $0x200;
	s11 =	simm.s32 $0x300  }
0x4: {  	s12 =	simm.s32 $0x1;
	s3 =	sand.u32 $0x1, s1;
	s31 =	sshll.u32 s0, $0x1  }
0x5: {  	s13 =	simm.s32 $0x80;
	s15 =	simm.s32 $0x180;
	s5 =	sor.u32 s3, s31  }
0x6: {  	s17 =	simm.s32 $0x280;
	s19 =	simm.s32 $0x380;
	s6 =	smul.u32 $0xFA000, s5  }
0x7: {  	[smem:$0x7FF] =	sst s2;
	s3 =	ssub.s32 $0x2, s3;
	s5 =	smul.u32 $0x1F400, s5  }
0x8: {  	s1 =	rddreg [dreg:$0x1];
	_ =	strace $0x80000047;
	s7 =	sshrl.u32 s3, $0x1  }
0x9: {  	s7 =	ssub.s32 s3, s7;
	s6 =	sshrl.u32 s6, $0x3;
	s3 =	sadd.s32 s4, s5  }
0xa: {  	s5 =	smax.u32 s7, $0x1;
	s6 =	sadd.s32 s4, s6;
	s7 =	sadd.s32 $0x100, s3  }
0xb: {  	s8 =	sadd.s32 $0x180, s3;
	s4 =	sadd.s32 $0xFA00, s6;
	s6 =	sadd.s32 $0x80, s3  }
0xc: {  	s14 =	sadd.s32 $0x80, s4;
	s16 =	sadd.s32 $0x100, s4;
	s18 =	sadd.s32 $0x180, s4  }
.LBB2_1:
0xd: {  	[tilespmem:s2], [sflag:$0x1] =	stream.linear.gather [hbm4b:s3+s2], $0x80, $0x38;
	[tilespmem:$0x400] =	vst v63  }
0xe: {  	_ = 	snop  }
0xf: {  	[tilespmem:s9], [sflag:$0x1] =	stream.linear.gather [hbm4b:s6+s2], $0x80, $0x38;
	[tilespmem:$0x400] =	vst v63  }
0x10: {  	_ = 	snop  }
0x11: {  	[tilespmem:s10], [sflag:$0x1] =	stream.linear.gather [hbm4b:s7+s2], $0x80, $0x38;
	[tilespmem:$0x400] =	vst v63  }
0x12: {  	_ = 	snop  }
0x13: {  	[tilespmem:s11], [sflag:$0x1] =	stream.linear.gather [hbm4b:s8+s2], $0x80, $0x38;
	[tilespmem:$0x400] =	vst v63  }
0x14: {  	_ =	swait.ge [sflag:s12], $0x200  }
0x15: {  	[sflag:s12] =	ssyncset.done $0x0  }
0x16: {  	[sflag:s12] =	ssyncadd.s32 $0xFFFFFE00  }
0x17: {  	v0 =	vld [tilespmem:$0x0]  }
0x18: {  	v1 =	vld [tilespmem:$0x10]  }
0x19: {  	v2 =	vld [tilespmem:$0x20]  }
0x1a: {  	v3 =	vld [tilespmem:$0x30]  }
0x1b: {  	v4 =	vld [tilespmem:$0x40]  }
0x1c: {  	v5 =	vld [tilespmem:$0x50];
	v0 =	vmax.f32 v0, $0.0e+00  }
0x1d: {  	v58 =	vld [tilespmem:$0x60];
	v57 =	vmax.f32 v1, $0.0e+00;
	[tilespmem:$0x0] =	vst v0  }
0x1e: {  	v60 =	vld [tilespmem:$0x70];
	v59 =	vmax.f32 v2, $0.0e+00;
	[tilespmem:$0x10] =	vst v57  }
0x1f: {  	v62 =	vld [tilespmem:$0x100];
	v61 =	vmax.f32 v3, $0.0e+00;
	[tilespmem:$0x20] =	vst v59  }
0x20: {  	v8 =	vld [tilespmem:$0x110];
	v63 =	vmax.f32 v4, $0.0e+00;
	[tilespmem:$0x30] =	vst v61  }
0x21: {  	v10 =	vld [tilespmem:$0x120];
	v9 =	vmax.f32 v5, $0.0e+00;
	[tilespmem:$0x40] =	vst v63  }
0x22: {  	v12 =	vld [tilespmem:$0x130];
	v11 =	vmax.f32 v58, $0.0e+00;
	[tilespmem:$0x50] =	vst v9  }
0x23: {  	v14 =	vld [tilespmem:$0x140];
	v13 =	vmax.f32 v60, $0.0e+00;
	[tilespmem:$0x60] =	vst v11  }
0x24: {  	v16 =	vld [tilespmem:$0x150];
	v15 =	vmax.f32 v62, $0.0e+00;
	[tilespmem:$0x70] =	vst v13  }
0x25: {  	v18 =	vld [tilespmem:$0x160];
	v17 =	vmax.f32 v8, $0.0e+00;
	[tilespmem:$0x100] =	vst v15  }
0x26: {  	v20 =	vld [tilespmem:$0x170];
	v19 =	vmax.f32 v10, $0.0e+00;
	[tilespmem:$0x110] =	vst v17  }
0x27: {  	v22 =	vld [tilespmem:$0x200];
	v21 =	vmax.f32 v12, $0.0e+00;
	[tilespmem:$0x120] =	vst v19  }
0x28: {  	v24 =	vld [tilespmem:$0x210];
	v23 =	vmax.f32 v14, $0.0e+00;
	[tilespmem:$0x130] =	vst v21  }
0x29: {  	v26 =	vld [tilespmem:$0x220];
	v25 =	vmax.f32 v16, $0.0e+00;
	[tilespmem:$0x140] =	vst v23  }
0x2a: {  	v28 =	vld [tilespmem:$0x230];
	v27 =	vmax.f32 v18, $0.0e+00;
	[tilespmem:$0x150] =	vst v25  }
0x2b: {  	v30 =	vld [tilespmem:$0x240];
	v29 =	vmax.f32 v20, $0.0e+00;
	[tilespmem:$0x160] =	vst v27  }
0x2c: {  	v32 =	vld [tilespmem:$0x250];
	v31 =	vmax.f32 v22, $0.0e+00;
	[tilespmem:$0x170] =	vst v29  }
0x2d: {  	v34 =	vld [tilespmem:$0x260];
	v33 =	vmax.f32 v24, $0.0e+00;
	[tilespmem:$0x200] =	vst v31  }
0x2e: {  	v36 =	vld [tilespmem:$0x270];
	v35 =	vmax.f32 v26, $0.0e+00;
	[tilespmem:$0x210] =	vst v33  }
0x2f: {  	v38 =	vld [tilespmem:$0x300];
	v37 =	vmax.f32 v28, $0.0e+00;
	[tilespmem:$0x220] =	vst v35  }
0x30: {  	v40 =	vld [tilespmem:$0x310];
	v39 =	vmax.f32 v30, $0.0e+00;
	[tilespmem:$0x230] =	vst v37  }
0x31: {  	v42 =	vld [tilespmem:$0x320];
	v41 =	vmax.f32 v32, $0.0e+00;
	[tilespmem:$0x240] =	vst v39  }
0x32: {  	v44 =	vld [tilespmem:$0x330];
	v43 =	vmax.f32 v34, $0.0e+00;
	[tilespmem:$0x250] =	vst v41  }
0x33: {  	v46 =	vld [tilespmem:$0x340];
	v45 =	vmax.f32 v36, $0.0e+00;
	[tilespmem:$0x260] =	vst v43  }
0x34: {  	v48 =	vld [tilespmem:$0x350];
	v47 =	vmax.f32 v38, $0.0e+00;
	[tilespmem:$0x270] =	vst v45  }
0x35: {  	v50 =	vld [tilespmem:$0x360];
	v49 =	vmax.f32 v40, $0.0e+00;
	[tilespmem:$0x300] =	vst v47  }
0x36: {  	v52 =	vld [tilespmem:$0x370];
	v51 =	vmax.f32 v42, $0.0e+00;
	[tilespmem:$0x310] =	vst v49  }
0x37: {  	v53 =	vmax.f32 v44, $0.0e+00;
	[tilespmem:$0x320] =	vst v51  }
0x38: {  	v54 =	vmax.f32 v46, $0.0e+00;
	[tilespmem:$0x330] =	vst v53  }
0x39: {  	v55 =	vmax.f32 v48, $0.0e+00;
	[tilespmem:$0x340] =	vst v54  }
0x3a: {  	v56 =	vmax.f32 v50, $0.0e+00;
	[tilespmem:$0x350] =	vst v55  }
0x3b: {  	[tilespmem:$0x360] =	vst v56;
	v57 =	vmax.f32 v52, $0.0e+00  }
0x3c: {  	[tilespmem:$0x370] =	vst v57  }
0x3d: {  	[hbm4b:s3+s2] =	stream.linear.scatter [tilespmem:s2], [sflag:$0x1], $0x80, $0x38;
	[tilespmem:$0x400] =	vst v63  }
0x3e: {  	_ = 	snop  }
0x3f: {  	[hbm4b:s6+s2] =	stream.linear.scatter [tilespmem:s9], [sflag:$0x1], $0x80, $0x38;
	[tilespmem:$0x400] =	vst v63  }
0x40: {  	_ = 	snop  }
0x41: {  	[hbm4b:s7+s2] =	stream.linear.scatter [tilespmem:s10], [sflag:$0x1], $0x80, $0x38;
	[tilespmem:$0x400] =	vst v63  }
0x42: {  	_ = 	snop  }
0x43: {  	[hbm4b:s8+s2] =	stream.linear.scatter [tilespmem:s11], [sflag:$0x1], $0x80, $0x38;
	[tilespmem:$0x400] =	vst v63  }
0x44: {  	_ =	swait.ge [sflag:s12], $0x200  }
0x45: {  	[sflag:s12] =	ssyncset.done $0x0  }
0x46: {  	[sflag:s12] =	ssyncadd.s32 $0xFFFFFE00  }
0x47: {  	[tilespmem:s13], [sflag:$0x1] =	stream.linear.gather [hbm4b:s4+s2], $0x80, $0x38;
	[tilespmem:$0x400] =	vst v63  }
0x48: {  	_ = 	snop  }
0x49: {  	[tilespmem:s15], [sflag:$0x1] =	stream.linear.gather [hbm4b:s14+s2], $0x80, $0x38;
	[tilespmem:$0x400] =	vst v63  }
0x4a: {  	_ = 	snop  }
0x4b: {  	[tilespmem:s17], [sflag:$0x1] =	stream.linear.gather [hbm4b:s16+s2], $0x80, $0x38;
	[tilespmem:$0x400] =	vst v63  }
0x4c: {  	_ = 	snop  }
0x4d: {  	[tilespmem:s19], [sflag:$0x1] =	stream.linear.gather [hbm4b:s18+s2], $0x80, $0x38;
	[tilespmem:$0x400] =	vst v63  }
0x4e: {  	_ =	swait.ge [sflag:s12], $0x200  }
0x4f: {  	[sflag:s12] =	ssyncset.done $0x0  }
0x50: {  	[sflag:s12] =	ssyncadd.s32 $0xFFFFFE00  }
0x51: {  	v58 =	vld [tilespmem:$0x80]  }
0x52: {  	v59 =	vld [tilespmem:$0x90]  }
0x53: {  	v60 =	vld [tilespmem:$0xA0]  }
0x54: {  	v61 =	vld [tilespmem:$0xB0]  }
0x55: {  	v62 =	vld [tilespmem:$0xC0]  }
0x56: {  	v63 =	vld [tilespmem:$0xD0];
	v0 =	vmax.f32 v58, $0.0e+00  }
0x57: {  	v8 =	vld [tilespmem:$0xE0];
	v7 =	vmax.f32 v59, $0.0e+00;
	[tilespmem:$0x80] =	vst v0  }
0x58: {  	v10 =	vld [tilespmem:$0xF0];
	v9 =	vmax.f32 v60, $0.0e+00;
	[tilespmem:$0x90] =	vst v7  }
0x59: {  	v12 =	vld [tilespmem:$0x180];
	v11 =	vmax.f32 v61, $0.0e+00;
	[tilespmem:$0xA0] =	vst v9  }
0x5a: {  	v14 =	vld [tilespmem:$0x190];
	v13 =	vmax.f32 v62, $0.0e+00;
	[tilespmem:$0xB0] =	vst v11  }
0x5b: {  	v16 =	vld [tilespmem:$0x1A0];
	v15 =	vmax.f32 v63, $0.0e+00;
	[tilespmem:$0xC0] =	vst v13  }
0x5c: {  	v18 =	vld [tilespmem:$0x1B0];
	v17 =	vmax.f32 v8, $0.0e+00;
	[tilespmem:$0xD0] =	vst v15  }
0x5d: {  	v20 =	vld [tilespmem:$0x1C0];
	v19 =	vmax.f32 v10, $0.0e+00;
	[tilespmem:$0xE0] =	vst v17  }
0x5e: {  	v22 =	vld [tilespmem:$0x1D0];
	v21 =	vmax.f32 v12, $0.0e+00;
	[tilespmem:$0xF0] =	vst v19  }
0x5f: {  	v24 =	vld [tilespmem:$0x1E0];
	v23 =	vmax.f32 v14, $0.0e+00;
	[tilespmem:$0x180] =	vst v21  }
0x60: {  	v26 =	vld [tilespmem:$0x1F0];
	v25 =	vmax.f32 v16, $0.0e+00;
	[tilespmem:$0x190] =	vst v23  }
0x61: {  	v28 =	vld [tilespmem:$0x280];
	v27 =	vmax.f32 v18, $0.0e+00;
	[tilespmem:$0x1A0] =	vst v25  }
0x62: {  	v30 =	vld [tilespmem:$0x290];
	v29 =	vmax.f32 v20, $0.0e+00;
	[tilespmem:$0x1B0] =	vst v27  }
0x63: {  	v32 =	vld [tilespmem:$0x2A0];
	v31 =	vmax.f32 v22, $0.0e+00;
	[tilespmem:$0x1C0] =	vst v29  }
0x64: {  	v34 =	vld [tilespmem:$0x2B0];
	v33 =	vmax.f32 v24, $0.0e+00;
	[tilespmem:$0x1D0] =	vst v31  }
0x65: {  	v36 =	vld [tilespmem:$0x2C0];
	v35 =	vmax.f32 v26, $0.0e+00;
	[tilespmem:$0x1E0] =	vst v33  }
0x66: {  	v38 =	vld [tilespmem:$0x2D0];
	v37 =	vmax.f32 v28, $0.0e+00;
	[tilespmem:$0x1F0] =	vst v35  }
0x67: {  	v40 =	vld [tilespmem:$0x2E0];
	v39 =	vmax.f32 v30, $0.0e+00;
	[tilespmem:$0x280] =	vst v37  }
0x68: {  	v42 =	vld [tilespmem:$0x2F0];
	v41 =	vmax.f32 v32, $0.0e+00;
	[tilespmem:$0x290] =	vst v39  }
0x69: {  	v44 =	vld [tilespmem:$0x380];
	v43 =	vmax.f32 v34, $0.0e+00;
	[tilespmem:$0x2A0] =	vst v41  }
0x6a: {  	v46 =	vld [tilespmem:$0x390];
	v45 =	vmax.f32 v36, $0.0e+00;
	[tilespmem:$0x2B0] =	vst v43  }
0x6b: {  	v48 =	vld [tilespmem:$0x3A0];
	v47 =	vmax.f32 v38, $0.0e+00;
	[tilespmem:$0x2C0] =	vst v45  }
0x6c: {  	v50 =	vld [tilespmem:$0x3B0];
	v49 =	vmax.f32 v40, $0.0e+00;
	[tilespmem:$0x2D0] =	vst v47  }
0x6d: {  	v52 =	vld [tilespmem:$0x3C0];
	v51 =	vmax.f32 v42, $0.0e+00;
	[tilespmem:$0x2E0] =	vst v49  }
0x6e: {  	v54 =	vld [tilespmem:$0x3D0];
	v53 =	vmax.f32 v44, $0.0e+00;
	[tilespmem:$0x2F0] =	vst v51  }
0x6f: {  	v56 =	vld [tilespmem:$0x3E0];
	v55 =	vmax.f32 v46, $0.0e+00;
	[tilespmem:$0x380] =	vst v53  }
0x70: {  	v57 =	vmax.f32 v48, $0.0e+00;
	v58 =	vld [tilespmem:$0x3F0];
	[tilespmem:$0x390] =	vst v55  }
0x71: {  	v59 =	vmax.f32 v50, $0.0e+00;
	[tilespmem:$0x3A0] =	vst v57  }
0x72: {  	v60 =	vmax.f32 v52, $0.0e+00;
	[tilespmem:$0x3B0] =	vst v59  }
0x73: {  	v61 =	vmax.f32 v54, $0.0e+00;
	[tilespmem:$0x3C0] =	vst v60  }
0x74: {  	v62 =	vmax.f32 v56, $0.0e+00;
	[tilespmem:$0x3D0] =	vst v61  }
0x75: {  	[tilespmem:$0x3E0] =	vst v62;
	v63 =	vmax.f32 v58, $0.0e+00  }
0x76: {  	[tilespmem:$0x3F0] =	vst v63  }
0x77: {  	[hbm4b:s4+s2] =	stream.linear.scatter [tilespmem:s13], [sflag:$0x1], $0x80, $0x38;
	[tilespmem:$0x400] =	vst v63  }
0x78: {  	_ = 	snop  }
0x79: {  	[hbm4b:s14+s2] =	stream.linear.scatter [tilespmem:s15], [sflag:$0x1], $0x80, $0x38;
	[tilespmem:$0x400] =	vst v63  }
0x7a: {  	p0 =	sne.s32 s5, $0x1  }
0x7b: {  	[hbm4b:s16+s2] =	stream.linear.scatter [tilespmem:s17], [sflag:$0x1], $0x80, $0x38;
	[tilespmem:$0x400] =	vst v63  }
.Ltmp0:
0x7c: {  	_ = 	snop;
	(pc) =	sbr.rel @p0 .LBB2_1-.Ltmp0, $4  }
0x7d: {  	[hbm4b:s18+s2] =	stream.linear.scatter [tilespmem:s19], [sflag:$0x1], $0x80, $0x38;
	[tilespmem:$0x400] =	vst v63  }
0x7e: {  	_ =	swait.ge [sflag:s12], $0x200  }
0x7f: {  	[sflag:s12] =	ssyncset.done $0x0  }
0x80: {  	s5 =	sadd.s32 $0xFFFFFFFF, s5;
	[sflag:s12] =	ssyncadd.s32 $0xFFFFFE00  }
0x81: {  	_ =	sfence.sel $0x180000  }
0x82: {  	[bflag:$0x0] =	sbarrier.arrive $0xFFFF  }
0x83: {  	p0 =	sne.s32 s0, $0x0;
	_ =	strace $0x90000047  }
0x84: {  	s0 =	sadd.s32 @!p0 $0x100000, s1;
	[bflag:$0x2] =	sbarrier.arrive $0xFFFF  }
0x85: {  	[sflag:s0] =	ssyncadd.tile.s32 @!p0 $0x1;
	_ =	shalt  }
.Lfunc_end2:
_tile_overlayer_lowered:
.L_overlay_start_2:
0x86: {  	(tag) =	ssettag $0x2  }
0x87: {  	s0 =	rddreg [dreg:$0x0];
	s2 =	stileid.u32  }
0x88: {  	s1 =	rddreg [dreg:$0x1];
	p0 =	sne.s32 s2, $0x0  }
0x89: {  	s3 =	rddreg [dreg:$0x2];
	[bflag:$0x3] =	sbarrier.arrive $0xFFFF;
	s2 =	simm.s32 @!p0 $0x1C01  }
0x8a: {  	[timem:s3], [sflag:s2] =	dma.local @!p0 [hbm:s0], s1  }
0x8b: {  	s0 =	simm.s32 @!p0 $0x1  }
0x8c: {  	_ =	swait.ge @!p0 [sflag:s0], s1  }
0x8d: {  	s1 =	ssub.s32 @!p0 $0x0, s1;
	[sflag:s0] =	ssyncset.done @!p0 $0x0  }
0x8e: {  	[sflag:s0] =	ssyncadd.s32 @!p0 s1  }
0x8f: {  	[bflag:$0x3] =	sbarrier.arrive $0xFFFF  }
0x90: {  	_ =	shalt  }

</sc_bundles>
